<compile_context>
chip_gen: v7x
topology: tpu7x:2x2x1
jax: 0.10.2.dev20260603
libtpu: 0.0.44.dev20260713+nightly
codegen_flags: <defaults>
</compile_context>

<pallas_src>
import functools

import jax
import jax.numpy as jnp
from jax import lax
from jax.experimental import pallas as pl
from jax.experimental.pallas import tpu as pltpu
from jax.experimental.pallas import tpu_sc as plsc

_NCORE = 2
_NSUB = 16
_K = 80
_HALF = 5120
_NPAD = 10240


def _mm_body(alpha_ref, comp_ref, x_ref, w_ref, upd_ref, o1_ref, o2_ref):
    r = pl.program_id(1)
    x = x_ref[...]

    @pl.when(r < 16)
    def _():
        w = (comp_ref[r, 0] * w_ref[0] + comp_ref[r, 1] * w_ref[1]
             + comp_ref[r, 2] * w_ref[2] + comp_ref[r, 3] * w_ref[3])
        o1_ref[0] = alpha_ref[r, 0] * jnp.dot(
            x, w, preferred_element_type=jnp.float32)

    @pl.when(r == 16)
    def _():
        o2_ref[...] = jnp.dot(
            x, upd_ref[...], preferred_element_type=jnp.float32)


def _build_tables(alphas, comp, vfts, weight, update):
    n, d = vfts.shape
    nrel = comp.shape[0]
    nblk = 10
    b = n // nblk
    return pl.pallas_call(
        _mm_body,
        grid=(nblk, nrel + 1),
        in_specs=[
            pl.BlockSpec((nrel, 1), lambda i, r: (0, 0),
                         memory_space=pltpu.SMEM),
            pl.BlockSpec((nrel, 4), lambda i, r: (0, 0),
                         memory_space=pltpu.SMEM),
            pl.BlockSpec((b, d), lambda i, r: (i, 0)),
            pl.BlockSpec((4, d, d), lambda i, r: (0, 0, 0)),
            pl.BlockSpec((d, d), lambda i, r: (0, 0)),
        ],
        out_specs=[
            pl.BlockSpec((1, b, d), lambda i, r: (jnp.minimum(r, 15), i, 0)),
            pl.BlockSpec((b, d), lambda i, r: (i, 0)),
        ],
        out_shape=[
            jax.ShapeDtypeStruct((nrel, n, d), jnp.float32),
            jax.ShapeDtypeStruct((n, d), jnp.float32),
        ],
        compiler_params=pltpu.CompilerParams(
            dimension_semantics=("arbitrary", "arbitrary")),
    )(alphas, comp, vfts, weight, update)


_SEG = 50


def _make_sc(n, d, e):
    ept = e // _NSUB
    seg = _SEG * _K
    nseg = ept // seg
    rpt = _HALF // _NSUB
    nko = rpt // _K
    mesh = plsc.VectorSubcoreMesh(
        core_axis_name="c", subcore_axis_name="s",
        num_cores=_NCORE, num_subcores=_NSUB)

    @functools.partial(
        pl.kernel,
        out_type=(
            jax.ShapeDtypeStruct((_NCORE, _HALF, d), jnp.float32),
            jax.ShapeDtypeStruct((_NSUB, 1, _NPAD), jnp.float32),
        ),
        mesh=mesh,
        scratch_types=[
            pltpu.VMEM((seg,), jnp.int32),
            pltpu.VMEM((seg,), jnp.int32),
            pltpu.VMEM((seg,), jnp.int32),
            pltpu.VMEM((seg,), jnp.int32),
            pltpu.VMEM((_SEG, _K), jnp.int32),
            pltpu.VMEM((_NPAD,), jnp.float32),
            pltpu.VMEM((2, _K, d), jnp.float32),
            pltpu.VMEM_SHARED((_HALF + 8, d), jnp.float32),
            pltpu.SemaphoreType.DMA,
            pltpu.SemaphoreType.DMA,
        ],
        compiler_params=pltpu.CompilerParams(needs_layout_passes=False),
    )
    def sc_kernel(tbl_hbm, rels_hbm, src_hbm, dst_hbm, zrow_hbm, zcnt_hbm,
                  acc_out, cnt_out,
                  rels_v, src_v, gidx_v, dst1_v, dst2_v, cnt_v, rows_v,
                  acc_sh, sem0, sem1):
        c = lax.axis_index("c")
        s = lax.axis_index("s")
        base_e = s * ept

        pltpu.sync_copy(zcnt_hbm, cnt_v)

        pltpu.sync_copy(zrow_hbm, rows_v.at[1])
        for k in range(nko):
            pltpu.sync_copy(rows_v.at[1],
                            acc_sh.at[pl.ds(s * rpt + k * _K, _K)])

        @pl.when(s == 0)
        def _():
            pltpu.sync_copy(rows_v.at[1, pl.ds(0, 8)],
                            acc_sh.at[pl.ds(_HALF, 8)])

        plsc.subcore_barrier()

        ones16 = jnp.ones((16,), jnp.float32)
        nvec = jnp.full((16,), n, jnp.int32)
        lovec = jnp.zeros((16,), jnp.int32) + c * _HALF
        trash = jnp.full((16,), _HALF, jnp.int32)

        def seg_body(g, carry):
            off = base_e + g * seg
            pltpu.sync_copy(rels_hbm.at[pl.ds(off, seg)], rels_v)
            pltpu.sync_copy(src_hbm.at[pl.ds(off, seg)], src_v)
            pltpu.sync_copy(dst_hbm.at[pl.ds(off, seg)], dst1_v)

            def idx_body(i, cr):
                sl = pl.ds(i * 16, 16)
                gidx_v[sl] = rels_v[sl] * nvec + src_v[sl]
                dv = dst1_v[sl]

                @pl.when(c == 0)
                def _():
                    plsc.addupdate_scatter(cnt_v, [dv], ones16)

                dl = dv - lovec
                oob = (dl < 0) | (dl >= _HALF)
                dst2_v[i // (_K // 16),
                       pl.ds((i % (_K // 16)) * 16, 16)] = jnp.where(
                           oob, trash, dl)
                return cr

            lax.fori_loop(0, seg // 16, idx_body, 0)

            def pair_body(jj, cr):
                j0 = 2 * jj
                j1 = j0 + 1
                g0 = pltpu.async_copy(
                    tbl_hbm.at[gidx_v.at[pl.ds(j0 * _K, _K)]],
                    rows_v.at[0], sem0)
                g1 = pltpu.async_copy(
                    tbl_hbm.at[gidx_v.at[pl.ds(j1 * _K, _K)]],
                    rows_v.at[1], sem1)
                g0.wait()
                pltpu.sync_copy(rows_v.at[0], acc_sh.at[dst2_v.at[j0]],
                                add=True)
                g1.wait()
                pltpu.sync_copy(rows_v.at[1], acc_sh.at[dst2_v.at[j1]],
                                add=True)
                return cr

            lax.fori_loop(0, _SEG // 2, pair_body, 0)
            return carry

        lax.fori_loop(0, nseg, seg_body, 0)

        plsc.subcore_barrier()

        for k in range(nko):
            pltpu.sync_copy(acc_sh.at[pl.ds(s * rpt + k * _K, _K)],
                            rows_v.at[1])
            pltpu.sync_copy(rows_v.at[1],
                            acc_out.at[c, pl.ds(s * rpt + k * _K, _K)])

        @pl.when(c == 0)
        def _():
            pltpu.sync_copy(cnt_v, cnt_out.at[s, 0])

    return sc_kernel


def _combine_body(b, acc_ref, cnt_ref, dst_ref, o_ref):
    i = pl.program_id(0)
    deg = jnp.sum(cnt_ref[:, pl.ds(i * b, b)], axis=0)
    o_ref[...] = jnp.maximum(acc_ref[...] + deg[:, None] * dst_ref[...], 0.0)


def _combine(acc, cnt, dsts):
    n, d = dsts.shape
    b = 512
    nblk = (n + b - 1) // b
    return pl.pallas_call(
        functools.partial(_combine_body, b),
        grid=(nblk,),
        in_specs=[
            pl.BlockSpec((b, d), lambda i: (i, 0)),
            pl.BlockSpec((_NSUB, _NPAD), lambda i: (0, 0)),
            pl.BlockSpec((b, d), lambda i: (i, 0)),
        ],
        out_specs=pl.BlockSpec((b, d), lambda i: (i, 0)),
        out_shape=jax.ShapeDtypeStruct((n, d), jnp.float32),
    )(acc, cnt, dsts)


def kernel(vfts, adjs, rels, embed_rels, embed_rels_target, weight, comp,
           attn_w1, attn_b1, attn_w2, attn_b2, update):
    n, d = vfts.shape
    e = rels.shape[0]
    nrel = comp.shape[0]
    assert e % (_NSUB * _SEG * _K) == 0 and _NCORE * _HALF >= n

    s16 = adjs[0, :nrel]
    t16 = adjs[1, :nrel]
    erps16 = jnp.concatenate(
        [vfts[s16], vfts[t16], embed_rels[:nrel],
         embed_rels_target[:nrel]], axis=1)
    h16 = jax.nn.relu(erps16 @ attn_w1.T + attn_b1)
    alphas = jax.nn.sigmoid(h16 @ attn_w2.T + attn_b2)

    tbl3, dsts = _build_tables(alphas, comp, vfts, weight, update)
    tbl = tbl3.reshape(nrel * n, d)

    zrow = jnp.zeros((_K, d), jnp.float32)
    zcnt = jnp.zeros((_NPAD,), jnp.float32)

    acc, cnt = _make_sc(n, d, e)(tbl, rels, adjs[0], adjs[1], zrow, zcnt)
    return _combine(acc.reshape(_NCORE * _HALF, d),
                    cnt.reshape(_NSUB, _NPAD), dsts)

# --- scband reference (transcript-rebuilt; emitter-appended) ---
"""Pipeline reference for scband-gra-ilconv-69243462746541 (READ-ONLY COPY).

The authoritative reference and input builder live on the scoring server;
editing this copy changes nothing except your own understanding.
"""

import jax, jax.numpy as jnp
import numpy as np

N_NODES = 10000
N_EDGES = 320000
D_NODE = 128
D_EDGE = 16
D_OUT = 128
N_REL = 16
N_BASES = 4


def setup_inputs(seed: int = 0) -> dict:
    key = jax.random.key(seed)
    ks = jax.random.split(key, 12)
    vfts = jax.random.normal(ks[0], (N_NODES, D_NODE), dtype=jnp.float32)
    adjs = jax.random.randint(ks[1], (2, N_EDGES), 0, N_NODES, dtype=jnp.int64 if jax.config.jax_enable_x64 else jnp.int32).astype(jnp.int32)
    rels = jax.random.randint(ks[2], (N_EDGES,), 0, N_REL).astype(jnp.int32)
    embed_rels = jax.random.normal(ks[3], (N_EDGES, D_EDGE), dtype=jnp.float32)
    embed_rels_target = jax.random.normal(ks[4], (N_EDGES, D_EDGE), dtype=jnp.float32)
    # learned parameters (glorot-ish scaled normals)
    weight = jax.random.normal(ks[5], (N_BASES, D_NODE, D_OUT), dtype=jnp.float32) * (1.0 / np.sqrt(D_NODE))
    comp = jax.random.normal(ks[6], (N_REL, N_BASES), dtype=jnp.float32) * (1.0 / np.sqrt(N_BASES))
    attn_in = D_NODE * 2 + D_EDGE * 2
    attn_w1 = jax.random.normal(ks[7], (D_OUT, attn_in), dtype=jnp.float32) * (1.0 / np.sqrt(attn_in))
    attn_b1 = jnp.zeros((D_OUT,), dtype=jnp.float32)
    attn_w2 = jax.random.normal(ks[8], (1, D_OUT), dtype=jnp.float32) * (1.0 / np.sqrt(D_OUT))
    attn_b2 = jnp.zeros((1,), dtype=jnp.float32)
    update = jax.random.normal(ks[9], (D_NODE, D_OUT), dtype=jnp.float32) * (1.0 / np.sqrt(D_NODE))
    return {
        "vfts": vfts, "adjs": adjs, "rels": rels,
        "embed_rels": embed_rels, "embed_rels_target": embed_rels_target,
        "weight": weight, "comp": comp,
        "attn_w1": attn_w1, "attn_b1": attn_b1,
        "attn_w2": attn_w2, "attn_b2": attn_b2,
        "update": update,
    }


def reference(vfts, adjs, rels, embed_rels, embed_rels_target, weight, comp, attn_w1, attn_b1, attn_w2, attn_b2, update):
    num_bases = weight.shape[0]
    d_in = weight.shape[1]
    d_out = weight.shape[2]
    num_relations = comp.shape[0]
    n = vfts.shape[0]
    # attention over edge representations
    erps = jnp.concatenate((vfts[adjs[0]], vfts[adjs[1]], embed_rels, embed_rels_target), axis=1)
    h = jax.nn.relu(erps @ attn_w1.T + attn_b1)
    alphas = jax.nn.sigmoid(h @ attn_w2.T + attn_b2)  # [E, 1]
    # basis-decomposed relation weights
    W = jnp.reshape(comp @ jnp.reshape(weight, (num_bases, d_in * d_out)), (num_relations, d_in, d_out))
    # per-relation transformed node features: [R, N, d_out]
    srcs_all = jnp.matmul(jnp.reshape(vfts, (1, n, d_in)), W)
    # gather per-edge messages (note: alphas indexed by relation id, faithful to original)
    srcs = alphas[rels] * srcs_all[rels, adjs[0]]
    vrps = jnp.zeros((n, d_out), dtype=vfts.dtype)
    vrps = vrps.at[adjs[1]].add(srcs)
    dsts = vfts @ update
    vrps = vrps.at[adjs[1]].add(dsts[adjs[1]])
    return jax.nn.relu(vrps)

if __name__ == "__main__":
    import jax
    _d = setup_inputs()
    print(jax.jit(kernel)(*tuple(_d.values())))

</pallas_src>

<mosaic_0001>
#map = affine_map<(d0, d1) -> (0, 0)>
#map1 = affine_map<(d0, d1) -> (0)>
#map2 = affine_map<(d0, d1) -> (0, 0, 0)>
module attributes {stable_mosaic.version = 14 : i64} {
  func.func @sc_kernel(%arg0: i32, %arg1: i32, %arg2: memref<160000x128xf32, #tpu.memory_space<hbm>>, %arg3: memref<320000xi32, #tpu.memory_space<hbm>>, %arg4: memref<320000xi32, #tpu.memory_space<hbm>>, %arg5: memref<320000xi32, #tpu.memory_space<hbm>>, %arg6: memref<80x128xf32, #tpu.memory_space<hbm>>, %arg7: memref<10240xf32, #tpu.memory_space<hbm>>, %arg8: memref<2x5120x128xf32, #tpu.memory_space<hbm>>, %arg9: memref<16x1x10240xf32, #tpu.memory_space<hbm>>, %arg10: memref<4000xi32, #tpu.memory_space<vmem>>, %arg11: memref<4000xi32, #tpu.memory_space<vmem>>, %arg12: memref<4000xi32, #tpu.memory_space<vmem>>, %arg13: memref<4000xi32, #tpu.memory_space<vmem>>, %arg14: memref<50x80xi32, #tpu.memory_space<vmem>>, %arg15: memref<10240xf32, #tpu.memory_space<vmem>>, %arg16: memref<2x80x128xf32, #tpu.memory_space<vmem>>, %arg17: memref<5128x128xf32, #tpu.memory_space<vmem_shared>>, %arg18: memref<!tpu.dma_semaphore, #tpu.memory_space<semaphore_mem>>, %arg19: memref<!tpu.dma_semaphore, #tpu.memory_space<semaphore_mem>>) attributes {dimension_semantics = [#tpu.dimension_semantics<core_parallel>, #tpu.dimension_semantics<subcore_parallel>], iteration_bounds = array<i64: 2, 16>, scalar_prefetch = 0 : i64, scratch_operands = 10 : i64, tpu.core_type = #tpu.core_type<sc_vector_subcore>, window_params = [{transform_indices = #map}, {transform_indices = #map1}, {transform_indices = #map1}, {transform_indices = #map1}, {transform_indices = #map}, {transform_indices = #map1}, {transform_indices = #map2}, {transform_indices = #map2}]} {
    %mul3A = arith.constant 20000 : i32
    %mul3A_0 = arith.muli %arg1, %mul3A : i32
    "tpu.region"() ({
      %run_scoped3A_84 = tpu.sem_alloc : memref<!tpu.dma_semaphore, #tpu.memory_space<semaphore_mem>>
      tpu.enqueue_dma source(%arg7 : memref<10240xf32, #tpu.memory_space<hbm>>) target(%arg15 : memref<10240xf32, #tpu.memory_space<vmem>>) target_semaphore(%run_scoped3A_84 : memref<!tpu.dma_semaphore, #tpu.memory_space<semaphore_mem>>)
      tpu.wait_dma2 semaphore(%run_scoped3A_84 : memref<!tpu.dma_semaphore, #tpu.memory_space<semaphore_mem>>) src(%arg7 : memref<10240xf32, #tpu.memory_space<hbm>>) dst(%arg15 : memref<10240xf32, #tpu.memory_space<vmem>>)
      tpu.yield
    }) : () -> ()
    %run_scoped3A = arith.constant 1 : i32
    "tpu.region"() ({
      %run_scoped3A_84 = tpu.sem_alloc : memref<!tpu.dma_semaphore, #tpu.memory_space<semaphore_mem>>
      %dma_start3A = arith.constant 0 : i32
      %dma_start3A_85 = arith.constant 0 : i32
      %dma_start3A_86 = tpu.memref_slice %arg16[%run_scoped3A, %dma_start3A, %dma_start3A_85] : memref<2x80x128xf32, #tpu.memory_space<vmem>> -> memref<1x80x128xf32, #tpu.memory_space<vmem>>
      %dma_start3A_87 = tpu.memref_squeeze %dma_start3A_86 : memref<1x80x128xf32, #tpu.memory_space<vmem>> -> memref<80x128xf32, #tpu.memory_space<vmem>>
      %dma_start3A_88 = arith.constant 0 : i32
      %dma_start3A_89 = arith.constant 0 : i32
      %dma_start3A_90 = tpu.memref_slice %arg16[%run_scoped3A, %dma_start3A_88, %dma_start3A_89] : memref<2x80x128xf32, #tpu.memory_space<vmem>> -> memref<1x80x128xf32, #tpu.memory_space<vmem>>
      %dma_start3A_91 = tpu.memref_squeeze %dma_start3A_90 : memref<1x80x128xf32, #tpu.memory_space<vmem>> -> memref<80x128xf32, #tpu.memory_space<vmem>>
      tpu.enqueue_dma source(%arg6 : memref<80x128xf32, #tpu.memory_space<hbm>>) target(%dma_start3A_91 : memref<80x128xf32, #tpu.memory_space<vmem>>) target_semaphore(%run_scoped3A_84 : memref<!tpu.dma_semaphore, #tpu.memory_space<semaphore_mem>>)
      %dma_wait3A = arith.constant 0 : i32
      %dma_wait3A_92 = arith.constant 0 : i32
      %dma_wait3A_93 = tpu.memref_slice %arg16[%run_scoped3A, %dma_wait3A, %dma_wait3A_92] : memref<2x80x128xf32, #tpu.memory_space<vmem>> -> memref<1x80x128xf32, #tpu.memory_space<vmem>>
      %dma_wait3A_94 = tpu.memref_squeeze %dma_wait3A_93 : memref<1x80x128xf32, #tpu.memory_space<vmem>> -> memref<80x128xf32, #tpu.memory_space<vmem>>
      %dma_wait3A_95 = arith.constant 0 : i32
      %dma_wait3A_96 = arith.constant 0 : i32
      %dma_wait3A_97 = tpu.memref_slice %arg16[%run_scoped3A, %dma_wait3A_95, %dma_wait3A_96] : memref<2x80x128xf32, #tpu.memory_space<vmem>> -> memref<1x80x128xf32, #tpu.memory_space<vmem>>
      %dma_wait3A_98 = tpu.memref_squeeze %dma_wait3A_97 : memref<1x80x128xf32, #tpu.memory_space<vmem>> -> memref<80x128xf32, #tpu.memory_space<vmem>>
      tpu.wait_dma2 semaphore(%run_scoped3A_84 : memref<!tpu.dma_semaphore, #tpu.memory_space<semaphore_mem>>) src(%arg6 : memref<80x128xf32, #tpu.memory_space<hbm>>) dst(%dma_wait3A_98 : memref<80x128xf32, #tpu.memory_space<vmem>>)
      tpu.yield
    }) : () -> ()
    %mul3A_1 = arith.constant 320 : i32
    %mul3A_2 = arith.muli %arg1, %mul3A_1 : i32
    %add3A = arith.constant 0 : i32
    %add3A_3 = arith.addi %mul3A_2, %add3A : i32
    %run_scoped3A_4 = arith.constant 1 : i32
    "tpu.region"() ({
      %run_scoped3A_84 = tpu.sem_alloc : memref<!tpu.dma_semaphore, #tpu.memory_space<semaphore_mem>>
      %dma_start3A = arith.constant 0 : i32
      %dma_start3A_85 = arith.constant 0 : i32
      %dma_start3A_86 = tpu.memref_slice %arg16[%run_scoped3A_4, %dma_start3A, %dma_start3A_85] : memref<2x80x128xf32, #tpu.memory_space<vmem>> -> memref<1x80x128xf32, #tpu.memory_space<vmem>>
      %dma_start3A_87 = tpu.memref_squeeze %dma_start3A_86 : memref<1x80x128xf32, #tpu.memory_space<vmem>> -> memref<80x128xf32, #tpu.memory_space<vmem>>
      %dma_start3A_88 = arith.constant 0 : i32
      %dma_start3A_89 = tpu.memref_slice %arg17[%add3A_3, %dma_start3A_88] : memref<5128x128xf32, #tpu.memory_space<vmem_shared>> -> memref<80x128xf32, #tpu.memory_space<vmem_shared>>
      %dma_start3A_90 = arith.constant 0 : i32
      %dma_start3A_91 = tpu.memref_slice %arg17[%add3A_3, %dma_start3A_90] : memref<5128x128xf32, #tpu.memory_space<vmem_shared>> -> memref<80x128xf32, #tpu.memory_space<vmem_shared>>
      %dma_start3A_92 = arith.constant 0 : i32
      %dma_start3A_93 = arith.constant 0 : i32
      %dma_start3A_94 = tpu.memref_slice %arg16[%run_scoped3A_4, %dma_start3A_92, %dma_start3A_93] : memref<2x80x128xf32, #tpu.memory_space<vmem>> -> memref<1x80x128xf32, #tpu.memory_space<vmem>>
      %dma_start3A_95 = tpu.memref_squeeze %dma_start3A_94 : memref<1x80x128xf32, #tpu.memory_space<vmem>> -> memref<80x128xf32, #tpu.memory_space<vmem>>
      tpu.enqueue_dma source(%dma_start3A_95 : memref<80x128xf32, #tpu.memory_space<vmem>>) target(%dma_start3A_91 : memref<80x128xf32, #tpu.memory_space<vmem_shared>>) target_semaphore(%run_scoped3A_84 : memref<!tpu.dma_semaphore, #tpu.memory_space<semaphore_mem>>)
      %dma_wait3A = arith.constant 0 : i32
      %dma_wait3A_96 = arith.constant 0 : i32
      %dma_wait3A_97 = tpu.memref_slice %arg16[%run_scoped3A_4, %dma_wait3A, %dma_wait3A_96] : memref<2x80x128xf32, #tpu.memory_space<vmem>> -> memref<1x80x128xf32, #tpu.memory_space<vmem>>
      %dma_wait3A_98 = tpu.memref_squeeze %dma_wait3A_97 : memref<1x80x128xf32, #tpu.memory_space<vmem>> -> memref<80x128xf32, #tpu.memory_space<vmem>>
      %dma_wait3A_99 = arith.constant 0 : i32
      %dma_wait3A_100 = tpu.memref_slice %arg17[%add3A_3, %dma_wait3A_99] : memref<5128x128xf32, #tpu.memory_space<vmem_shared>> -> memref<80x128xf32, #tpu.memory_space<vmem_shared>>
      %dma_wait3A_101 = arith.constant 0 : i32
      %dma_wait3A_102 = tpu.memref_slice %arg17[%add3A_3, %dma_wait3A_101] : memref<5128x128xf32, #tpu.memory_space<vmem_shared>> -> memref<80x128xf32, #tpu.memory_space<vmem_shared>>
      %dma_wait3A_103 = arith.constant 0 : i32
      %dma_wait3A_104 = arith.constant 0 : i32
      %dma_wait3A_105 = tpu.memref_slice %arg16[%run_scoped3A_4, %dma_wait3A_103, %dma_wait3A_104] : memref<2x80x128xf32, #tpu.memory_space<vmem>> -> memref<1x80x128xf32, #tpu.memory_space<vmem>>
      %dma_wait3A_106 = tpu.memref_squeeze %dma_wait3A_105 : memref<1x80x128xf32, #tpu.memory_space<vmem>> -> memref<80x128xf32, #tpu.memory_space<vmem>>
      tpu.wait_dma2 semaphore(%run_scoped3A_84 : memref<!tpu.dma_semaphore, #tpu.memory_space<semaphore_mem>>) src(%dma_wait3A_106 : memref<80x128xf32, #tpu.memory_space<vmem>>) dst(%dma_wait3A_102 : memref<80x128xf32, #tpu.memory_space<vmem_shared>>)
      tpu.yield
    }) : () -> ()
    %mul3A_5 = arith.constant 320 : i32
    %mul3A_6 = arith.muli %arg1, %mul3A_5 : i32
    %add3A_7 = arith.constant 80 : i32
    %add3A_8 = arith.addi %mul3A_6, %add3A_7 : i32
    %run_scoped3A_9 = arith.constant 1 : i32
    "tpu.region"() ({
      %run_scoped3A_84 = tpu.sem_alloc : memref<!tpu.dma_semaphore, #tpu.memory_space<semaphore_mem>>
      %dma_start3A = arith.constant 0 : i32
      %dma_start3A_85 = arith.constant 0 : i32
      %dma_start3A_86 = tpu.memref_slice %arg16[%run_scoped3A_9, %dma_start3A, %dma_start3A_85] : memref<2x80x128xf32, #tpu.memory_space<vmem>> -> memref<1x80x128xf32, #tpu.memory_space<vmem>>
      %dma_start3A_87 = tpu.memref_squeeze %dma_start3A_86 : memref<1x80x128xf32, #tpu.memory_space<vmem>> -> memref<80x128xf32, #tpu.memory_space<vmem>>
      %dma_start3A_88 = arith.constant 0 : i32
      %dma_start3A_89 = tpu.memref_slice %arg17[%add3A_8, %dma_start3A_88] : memref<5128x128xf32, #tpu.memory_space<vmem_shared>> -> memref<80x128xf32, #tpu.memory_space<vmem_shared>>
      %dma_start3A_90 = arith.constant 0 : i32
      %dma_start3A_91 = tpu.memref_slice %arg17[%add3A_8, %dma_start3A_90] : memref<5128x128xf32, #tpu.memory_space<vmem_shared>> -> memref<80x128xf32, #tpu.memory_space<vmem_shared>>
      %dma_start3A_92 = arith.constant 0 : i32
      %dma_start3A_93 = arith.constant 0 : i32
      %dma_start3A_94 = tpu.memref_slice %arg16[%run_scoped3A_9, %dma_start3A_92, %dma_start3A_93] : memref<2x80x128xf32, #tpu.memory_space<vmem>> -> memref<1x80x128xf32, #tpu.memory_space<vmem>>
      %dma_start3A_95 = tpu.memref_squeeze %dma_start3A_94 : memref<1x80x128xf32, #tpu.memory_space<vmem>> -> memref<80x128xf32, #tpu.memory_space<vmem>>
      tpu.enqueue_dma source(%dma_start3A_95 : memref<80x128xf32, #tpu.memory_space<vmem>>) target(%dma_start3A_91 : memref<80x128xf32, #tpu.memory_space<vmem_shared>>) target_semaphore(%run_scoped3A_84 : memref<!tpu.dma_semaphore, #tpu.memory_space<semaphore_mem>>)
      %dma_wait3A = arith.constant 0 : i32
      %dma_wait3A_96 = arith.constant 0 : i32
      %dma_wait3A_97 = tpu.memref_slice %arg16[%run_scoped3A_9, %dma_wait3A, %dma_wait3A_96] : memref<2x80x128xf32, #tpu.memory_space<vmem>> -> memref<1x80x128xf32, #tpu.memory_space<vmem>>
      %dma_wait3A_98 = tpu.memref_squeeze %dma_wait3A_97 : memref<1x80x128xf32, #tpu.memory_space<vmem>> -> memref<80x128xf32, #tpu.memory_space<vmem>>
      %dma_wait3A_99 = arith.constant 0 : i32
      %dma_wait3A_100 = tpu.memref_slice %arg17[%add3A_8, %dma_wait3A_99] : memref<5128x128xf32, #tpu.memory_space<vmem_shared>> -> memref<80x128xf32, #tpu.memory_space<vmem_shared>>
      %dma_wait3A_101 = arith.constant 0 : i32
      %dma_wait3A_102 = tpu.memref_slice %arg17[%add3A_8, %dma_wait3A_101] : memref<5128x128xf32, #tpu.memory_space<vmem_shared>> -> memref<80x128xf32, #tpu.memory_space<vmem_shared>>
      %dma_wait3A_103 = arith.constant 0 : i32
      %dma_wait3A_104 = arith.constant 0 : i32
      %dma_wait3A_105 = tpu.memref_slice %arg16[%run_scoped3A_9, %dma_wait3A_103, %dma_wait3A_104] : memref<2x80x128xf32, #tpu.memory_space<vmem>> -> memref<1x80x128xf32, #tpu.memory_space<vmem>>
      %dma_wait3A_106 = tpu.memref_squeeze %dma_wait3A_105 : memref<1x80x128xf32, #tpu.memory_space<vmem>> -> memref<80x128xf32, #tpu.memory_space<vmem>>
      tpu.wait_dma2 semaphore(%run_scoped3A_84 : memref<!tpu.dma_semaphore, #tpu.memory_space<semaphore_mem>>) src(%dma_wait3A_106 : memref<80x128xf32, #tpu.memory_space<vmem>>) dst(%dma_wait3A_102 : memref<80x128xf32, #tpu.memory_space<vmem_shared>>)
      tpu.yield
    }) : () -> ()
    %mul3A_10 = arith.constant 320 : i32
    %mul3A_11 = arith.muli %arg1, %mul3A_10 : i32
    %add3A_12 = arith.constant 160 : i32
    %add3A_13 = arith.addi %mul3A_11, %add3A_12 : i32
    %run_scoped3A_14 = arith.constant 1 : i32
    "tpu.region"() ({
      %run_scoped3A_84 = tpu.sem_alloc : memref<!tpu.dma_semaphore, #tpu.memory_space<semaphore_mem>>
      %dma_start3A = arith.constant 0 : i32
      %dma_start3A_85 = arith.constant 0 : i32
      %dma_start3A_86 = tpu.memref_slice %arg16[%run_scoped3A_14, %dma_start3A, %dma_start3A_85] : memref<2x80x128xf32, #tpu.memory_space<vmem>> -> memref<1x80x128xf32, #tpu.memory_space<vmem>>
      %dma_start3A_87 = tpu.memref_squeeze %dma_start3A_86 : memref<1x80x128xf32, #tpu.memory_space<vmem>> -> memref<80x128xf32, #tpu.memory_space<vmem>>
      %dma_start3A_88 = arith.constant 0 : i32
      %dma_start3A_89 = tpu.memref_slice %arg17[%add3A_13, %dma_start3A_88] : memref<5128x128xf32, #tpu.memory_space<vmem_shared>> -> memref<80x128xf32, #tpu.memory_space<vmem_shared>>
      %dma_start3A_90 = arith.constant 0 : i32
      %dma_start3A_91 = tpu.memref_slice %arg17[%add3A_13, %dma_start3A_90] : memref<5128x128xf32, #tpu.memory_space<vmem_shared>> -> memref<80x128xf32, #tpu.memory_space<vmem_shared>>
      %dma_start3A_92 = arith.constant 0 : i32
      %dma_start3A_93 = arith.constant 0 : i32
      %dma_start3A_94 = tpu.memref_slice %arg16[%run_scoped3A_14, %dma_start3A_92, %dma_start3A_93] : memref<2x80x128xf32, #tpu.memory_space<vmem>> -> memref<1x80x128xf32, #tpu.memory_space<vmem>>
      %dma_start3A_95 = tpu.memref_squeeze %dma_start3A_94 : memref<1x80x128xf32, #tpu.memory_space<vmem>> -> memref<80x128xf32, #tpu.memory_space<vmem>>
      tpu.enqueue_dma source(%dma_start3A_95 : memref<80x128xf32, #tpu.memory_space<vmem>>) target(%dma_start3A_91 : memref<80x128xf32, #tpu.memory_space<vmem_shared>>) target_semaphore(%run_scoped3A_84 : memref<!tpu.dma_semaphore, #tpu.memory_space<semaphore_mem>>)
      %dma_wait3A = arith.constant 0 : i32
      %dma_wait3A_96 = arith.constant 0 : i32
      %dma_wait3A_97 = tpu.memref_slice %arg16[%run_scoped3A_14, %dma_wait3A, %dma_wait3A_96] : memref<2x80x128xf32, #tpu.memory_space<vmem>> -> memref<1x80x128xf32, #tpu.memory_space<vmem>>
      %dma_wait3A_98 = tpu.memref_squeeze %dma_wait3A_97 : memref<1x80x128xf32, #tpu.memory_space<vmem>> -> memref<80x128xf32, #tpu.memory_space<vmem>>
      %dma_wait3A_99 = arith.constant 0 : i32
      %dma_wait3A_100 = tpu.memref_slice %arg17[%add3A_13, %dma_wait3A_99] : memref<5128x128xf32, #tpu.memory_space<vmem_shared>> -> memref<80x128xf32, #tpu.memory_space<vmem_shared>>
      %dma_wait3A_101 = arith.constant 0 : i32
      %dma_wait3A_102 = tpu.memref_slice %arg17[%add3A_13, %dma_wait3A_101] : memref<5128x128xf32, #tpu.memory_space<vmem_shared>> -> memref<80x128xf32, #tpu.memory_space<vmem_shared>>
      %dma_wait3A_103 = arith.constant 0 : i32
      %dma_wait3A_104 = arith.constant 0 : i32
      %dma_wait3A_105 = tpu.memref_slice %arg16[%run_scoped3A_14, %dma_wait3A_103, %dma_wait3A_104] : memref<2x80x128xf32, #tpu.memory_space<vmem>> -> memref<1x80x128xf32, #tpu.memory_space<vmem>>
      %dma_wait3A_106 = tpu.memref_squeeze %dma_wait3A_105 : memref<1x80x128xf32, #tpu.memory_space<vmem>> -> memref<80x128xf32, #tpu.memory_space<vmem>>
      tpu.wait_dma2 semaphore(%run_scoped3A_84 : memref<!tpu.dma_semaphore, #tpu.memory_space<semaphore_mem>>) src(%dma_wait3A_106 : memref<80x128xf32, #tpu.memory_space<vmem>>) dst(%dma_wait3A_102 : memref<80x128xf32, #tpu.memory_space<vmem_shared>>)
      tpu.yield
    }) : () -> ()
    %mul3A_15 = arith.constant 320 : i32
    %mul3A_16 = arith.muli %arg1, %mul3A_15 : i32
    %add3A_17 = arith.constant 240 : i32
    %add3A_18 = arith.addi %mul3A_16, %add3A_17 : i32
    %run_scoped3A_19 = arith.constant 1 : i32
    "tpu.region"() ({
      %run_scoped3A_84 = tpu.sem_alloc : memref<!tpu.dma_semaphore, #tpu.memory_space<semaphore_mem>>
      %dma_start3A = arith.constant 0 : i32
      %dma_start3A_85 = arith.constant 0 : i32
      %dma_start3A_86 = tpu.memref_slice %arg16[%run_scoped3A_19, %dma_start3A, %dma_start3A_85] : memref<2x80x128xf32, #tpu.memory_space<vmem>> -> memref<1x80x128xf32, #tpu.memory_space<vmem>>
      %dma_start3A_87 = tpu.memref_squeeze %dma_start3A_86 : memref<1x80x128xf32, #tpu.memory_space<vmem>> -> memref<80x128xf32, #tpu.memory_space<vmem>>
      %dma_start3A_88 = arith.constant 0 : i32
      %dma_start3A_89 = tpu.memref_slice %arg17[%add3A_18, %dma_start3A_88] : memref<5128x128xf32, #tpu.memory_space<vmem_shared>> -> memref<80x128xf32, #tpu.memory_space<vmem_shared>>
      %dma_start3A_90 = arith.constant 0 : i32
      %dma_start3A_91 = tpu.memref_slice %arg17[%add3A_18, %dma_start3A_90] : memref<5128x128xf32, #tpu.memory_space<vmem_shared>> -> memref<80x128xf32, #tpu.memory_space<vmem_shared>>
      %dma_start3A_92 = arith.constant 0 : i32
      %dma_start3A_93 = arith.constant 0 : i32
      %dma_start3A_94 = tpu.memref_slice %arg16[%run_scoped3A_19, %dma_start3A_92, %dma_start3A_93] : memref<2x80x128xf32, #tpu.memory_space<vmem>> -> memref<1x80x128xf32, #tpu.memory_space<vmem>>
      %dma_start3A_95 = tpu.memref_squeeze %dma_start3A_94 : memref<1x80x128xf32, #tpu.memory_space<vmem>> -> memref<80x128xf32, #tpu.memory_space<vmem>>
      tpu.enqueue_dma source(%dma_start3A_95 : memref<80x128xf32, #tpu.memory_space<vmem>>) target(%dma_start3A_91 : memref<80x128xf32, #tpu.memory_space<vmem_shared>>) target_semaphore(%run_scoped3A_84 : memref<!tpu.dma_semaphore, #tpu.memory_space<semaphore_mem>>)
      %dma_wait3A = arith.constant 0 : i32
      %dma_wait3A_96 = arith.constant 0 : i32
      %dma_wait3A_97 = tpu.memref_slice %arg16[%run_scoped3A_19, %dma_wait3A, %dma_wait3A_96] : memref<2x80x128xf32, #tpu.memory_space<vmem>> -> memref<1x80x128xf32, #tpu.memory_space<vmem>>
      %dma_wait3A_98 = tpu.memref_squeeze %dma_wait3A_97 : memref<1x80x128xf32, #tpu.memory_space<vmem>> -> memref<80x128xf32, #tpu.memory_space<vmem>>
      %dma_wait3A_99 = arith.constant 0 : i32
      %dma_wait3A_100 = tpu.memref_slice %arg17[%add3A_18, %dma_wait3A_99] : memref<5128x128xf32, #tpu.memory_space<vmem_shared>> -> memref<80x128xf32, #tpu.memory_space<vmem_shared>>
      %dma_wait3A_101 = arith.constant 0 : i32
      %dma_wait3A_102 = tpu.memref_slice %arg17[%add3A_18, %dma_wait3A_101] : memref<5128x128xf32, #tpu.memory_space<vmem_shared>> -> memref<80x128xf32, #tpu.memory_space<vmem_shared>>
      %dma_wait3A_103 = arith.constant 0 : i32
      %dma_wait3A_104 = arith.constant 0 : i32
      %dma_wait3A_105 = tpu.memref_slice %arg16[%run_scoped3A_19, %dma_wait3A_103, %dma_wait3A_104] : memref<2x80x128xf32, #tpu.memory_space<vmem>> -> memref<1x80x128xf32, #tpu.memory_space<vmem>>
      %dma_wait3A_106 = tpu.memref_squeeze %dma_wait3A_105 : memref<1x80x128xf32, #tpu.memory_space<vmem>> -> memref<80x128xf32, #tpu.memory_space<vmem>>
      tpu.wait_dma2 semaphore(%run_scoped3A_84 : memref<!tpu.dma_semaphore, #tpu.memory_space<semaphore_mem>>) src(%dma_wait3A_106 : memref<80x128xf32, #tpu.memory_space<vmem>>) dst(%dma_wait3A_102 : memref<80x128xf32, #tpu.memory_space<vmem_shared>>)
      tpu.yield
    }) : () -> ()
    %eq3A = arith.constant 0 : i32
    %eq3A_20 = arith.cmpi eq, %arg1, %eq3A : i32
    %convert_element_type3A = arith.extui %eq3A_20 : i1 to i32
    %cond3A = arith.constant 0 : i32
    %cond3A_21 = arith.cmpi ne, %convert_element_type3A, %cond3A : i32
    scf.if %cond3A_21 {
      %run_scoped3A_84 = arith.constant 1 : i32
      "tpu.region"() ({
        %run_scoped3A_85 = tpu.sem_alloc : memref<!tpu.dma_semaphore, #tpu.memory_space<semaphore_mem>>
        %dma_start3A = arith.constant 0 : i32
        %dma_start3A_86 = arith.constant 0 : i32
        %dma_start3A_87 = tpu.memref_slice %arg16[%run_scoped3A_84, %dma_start3A, %dma_start3A_86] : memref<2x80x128xf32, #tpu.memory_space<vmem>> -> memref<1x8x128xf32, #tpu.memory_space<vmem>>
        %dma_start3A_88 = tpu.memref_squeeze %dma_start3A_87 : memref<1x8x128xf32, #tpu.memory_space<vmem>> -> memref<8x128xf32, #tpu.memory_space<vmem>>
        %dma_start3A_89 = arith.constant 5120 : i32
        %dma_start3A_90 = arith.constant 0 : i32
        %dma_start3A_91 = tpu.memref_slice %arg17[%dma_start3A_89, %dma_start3A_90] : memref<5128x128xf32, #tpu.memory_space<vmem_shared>> -> memref<8x128xf32, #tpu.memory_space<vmem_shared>>
        %dma_start3A_92 = arith.constant 5120 : i32
        %dma_start3A_93 = arith.constant 0 : i32
        %dma_start3A_94 = tpu.memref_slice %arg17[%dma_start3A_92, %dma_start3A_93] : memref<5128x128xf32, #tpu.memory_space<vmem_shared>> -> memref<8x128xf32, #tpu.memory_space<vmem_shared>>
        %dma_start3A_95 = arith.constant 0 : i32
        %dma_start3A_96 = arith.constant 0 : i32
        %dma_start3A_97 = tpu.memref_slice %arg16[%run_scoped3A_84, %dma_start3A_95, %dma_start3A_96] : memref<2x80x128xf32, #tpu.memory_space<vmem>> -> memref<1x8x128xf32, #tpu.memory_space<vmem>>
        %dma_start3A_98 = tpu.memref_squeeze %dma_start3A_97 : memref<1x8x128xf32, #tpu.memory_space<vmem>> -> memref<8x128xf32, #tpu.memory_space<vmem>>
        tpu.enqueue_dma source(%dma_start3A_98 : memref<8x128xf32, #tpu.memory_space<vmem>>) target(%dma_start3A_94 : memref<8x128xf32, #tpu.memory_space<vmem_shared>>) target_semaphore(%run_scoped3A_85 : memref<!tpu.dma_semaphore, #tpu.memory_space<semaphore_mem>>)
        %dma_wait3A = arith.constant 0 : i32
        %dma_wait3A_99 = arith.constant 0 : i32
        %dma_wait3A_100 = tpu.memref_slice %arg16[%run_scoped3A_84, %dma_wait3A, %dma_wait3A_99] : memref<2x80x128xf32, #tpu.memory_space<vmem>> -> memref<1x8x128xf32, #tpu.memory_space<vmem>>
        %dma_wait3A_101 = tpu.memref_squeeze %dma_wait3A_100 : memref<1x8x128xf32, #tpu.memory_space<vmem>> -> memref<8x128xf32, #tpu.memory_space<vmem>>
        %dma_wait3A_102 = arith.constant 5120 : i32
        %dma_wait3A_103 = arith.constant 0 : i32
        %dma_wait3A_104 = tpu.memref_slice %arg17[%dma_wait3A_102, %dma_wait3A_103] : memref<5128x128xf32, #tpu.memory_space<vmem_shared>> -> memref<8x128xf32, #tpu.memory_space<vmem_shared>>
        %dma_wait3A_105 = arith.constant 5120 : i32
        %dma_wait3A_106 = arith.constant 0 : i32
        %dma_wait3A_107 = tpu.memref_slice %arg17[%dma_wait3A_105, %dma_wait3A_106] : memref<5128x128xf32, #tpu.memory_space<vmem_shared>> -> memref<8x128xf32, #tpu.memory_space<vmem_shared>>
        %dma_wait3A_108 = arith.constant 0 : i32
        %dma_wait3A_109 = arith.constant 0 : i32
        %dma_wait3A_110 = tpu.memref_slice %arg16[%run_scoped3A_84, %dma_wait3A_108, %dma_wait3A_109] : memref<2x80x128xf32, #tpu.memory_space<vmem>> -> memref<1x8x128xf32, #tpu.memory_space<vmem>>
        %dma_wait3A_111 = tpu.memref_squeeze %dma_wait3A_110 : memref<1x8x128xf32, #tpu.memory_space<vmem>> -> memref<8x128xf32, #tpu.memory_space<vmem>>
        tpu.wait_dma2 semaphore(%run_scoped3A_85 : memref<!tpu.dma_semaphore, #tpu.memory_space<semaphore_mem>>) src(%dma_wait3A_111 : memref<8x128xf32, #tpu.memory_space<vmem>>) dst(%dma_wait3A_107 : memref<8x128xf32, #tpu.memory_space<vmem_shared>>)
        tpu.yield
      }) : () -> ()
    } else {
    }
    %barrier3A = arith.constant 0 : index
    tpu.barrier barrier_id(%barrier3A)
    %broadcast_in_dim3A = arith.constant 1.000000e+00 : f32
    %broadcast_in_dim3A_22 = vector.broadcast %broadcast_in_dim3A : f32 to vector<16xf32>
    %broadcast_in_dim3A_23 = arith.constant 10000 : i32
    %broadcast_in_dim3A_24 = vector.broadcast %broadcast_in_dim3A_23 : i32 to vector<16xi32>
    %broadcast_in_dim3A_25 = arith.constant 0 : i32
    %broadcast_in_dim3A_26 = vector.broadcast %broadcast_in_dim3A_25 : i32 to vector<16xi32>
    %mul3A_27 = arith.constant 5120 : i32
    %mul3A_28 = arith.muli %arg0, %mul3A_27 : i32
    %add3A_29 = vector.broadcast %mul3A_28 : i32 to vector<16xi32>
    %add3A_30 = arith.addi %broadcast_in_dim3A_26, %add3A_29 : vector<16xi32>
    %broadcast_in_dim3A_31 = arith.constant 5120 : i32
    %broadcast_in_dim3A_32 = vector.broadcast %broadcast_in_dim3A_31 : i32 to vector<16xi32>
    %scan3A = arith.constant 0 : i32
    %scan3A_33 = arith.constant 0 : i32
    %scan3A_34 = arith.constant 5 : i32
    %scan3A_35 = arith.addi %scan3A_33, %scan3A_34 : i32
    %scan3A_36 = arith.constant 1 : i32
    scf.for %scan3A_84 = %scan3A_33 to %scan3A_35 step %scan3A_36  : i32 {
      %mul3A_85 = arith.constant 4000 : i32
      %mul3A_86 = arith.muli %scan3A_84, %mul3A_85 : i32
      %add3A_87 = arith.addi %mul3A_0, %mul3A_86 : i32
      "tpu.region"() ({
        %run_scoped3A_100 = tpu.sem_alloc : memref<!tpu.dma_semaphore, #tpu.memory_space<semaphore_mem>>
        %dma_start3A = tpu.memref_slice %arg3[%add3A_87] : memref<320000xi32, #tpu.memory_space<hbm>> -> memref<4000xi32, #tpu.memory_space<hbm>>
        %dma_start3A_101 = tpu.memref_slice %arg3[%add3A_87] : memref<320000xi32, #tpu.memory_space<hbm>> -> memref<4000xi32, #tpu.memory_space<hbm>>
        tpu.enqueue_dma source(%dma_start3A_101 : memref<4000xi32, #tpu.memory_space<hbm>>) target(%arg10 : memref<4000xi32, #tpu.memory_space<vmem>>) target_semaphore(%run_scoped3A_100 : memref<!tpu.dma_semaphore, #tpu.memory_space<semaphore_mem>>)
        %dma_wait3A = tpu.memref_slice %arg3[%add3A_87] : memref<320000xi32, #tpu.memory_space<hbm>> -> memref<4000xi32, #tpu.memory_space<hbm>>
        %dma_wait3A_102 = tpu.memref_slice %arg3[%add3A_87] : memref<320000xi32, #tpu.memory_space<hbm>> -> memref<4000xi32, #tpu.memory_space<hbm>>
        tpu.wait_dma2 semaphore(%run_scoped3A_100 : memref<!tpu.dma_semaphore, #tpu.memory_space<semaphore_mem>>) src(%dma_wait3A_102 : memref<4000xi32, #tpu.memory_space<hbm>>) dst(%arg10 : memref<4000xi32, #tpu.memory_space<vmem>>)
        tpu.yield
      }) : () -> ()
      "tpu.region"() ({
        %run_scoped3A_100 = tpu.sem_alloc : memref<!tpu.dma_semaphore, #tpu.memory_space<semaphore_mem>>
        %dma_start3A = tpu.memref_slice %arg4[%add3A_87] : memref<320000xi32, #tpu.memory_space<hbm>> -> memref<4000xi32, #tpu.memory_space<hbm>>
        %dma_start3A_101 = tpu.memref_slice %arg4[%add3A_87] : memref<320000xi32, #tpu.memory_space<hbm>> -> memref<4000xi32, #tpu.memory_space<hbm>>
        tpu.enqueue_dma source(%dma_start3A_101 : memref<4000xi32, #tpu.memory_space<hbm>>) target(%arg11 : memref<4000xi32, #tpu.memory_space<vmem>>) target_semaphore(%run_scoped3A_100 : memref<!tpu.dma_semaphore, #tpu.memory_space<semaphore_mem>>)
        %dma_wait3A = tpu.memref_slice %arg4[%add3A_87] : memref<320000xi32, #tpu.memory_space<hbm>> -> memref<4000xi32, #tpu.memory_space<hbm>>
        %dma_wait3A_102 = tpu.memref_slice %arg4[%add3A_87] : memref<320000xi32, #tpu.memory_space<hbm>> -> memref<4000xi32, #tpu.memory_space<hbm>>
        tpu.wait_dma2 semaphore(%run_scoped3A_100 : memref<!tpu.dma_semaphore, #tpu.memory_space<semaphore_mem>>) src(%dma_wait3A_102 : memref<4000xi32, #tpu.memory_space<hbm>>) dst(%arg11 : memref<4000xi32, #tpu.memory_space<vmem>>)
        tpu.yield
      }) : () -> ()
      "tpu.region"() ({
        %run_scoped3A_100 = tpu.sem_alloc : memref<!tpu.dma_semaphore, #tpu.memory_space<semaphore_mem>>
        %dma_start3A = tpu.memref_slice %arg5[%add3A_87] : memref<320000xi32, #tpu.memory_space<hbm>> -> memref<4000xi32, #tpu.memory_space<hbm>>
        %dma_start3A_101 = tpu.memref_slice %arg5[%add3A_87] : memref<320000xi32, #tpu.memory_space<hbm>> -> memref<4000xi32, #tpu.memory_space<hbm>>
        tpu.enqueue_dma source(%dma_start3A_101 : memref<4000xi32, #tpu.memory_space<hbm>>) target(%arg13 : memref<4000xi32, #tpu.memory_space<vmem>>) target_semaphore(%run_scoped3A_100 : memref<!tpu.dma_semaphore, #tpu.memory_space<semaphore_mem>>)
        %dma_wait3A = tpu.memref_slice %arg5[%add3A_87] : memref<320000xi32, #tpu.memory_space<hbm>> -> memref<4000xi32, #tpu.memory_space<hbm>>
        %dma_wait3A_102 = tpu.memref_slice %arg5[%add3A_87] : memref<320000xi32, #tpu.memory_space<hbm>> -> memref<4000xi32, #tpu.memory_space<hbm>>
        tpu.wait_dma2 semaphore(%run_scoped3A_100 : memref<!tpu.dma_semaphore, #tpu.memory_space<semaphore_mem>>) src(%dma_wait3A_102 : memref<4000xi32, #tpu.memory_space<hbm>>) dst(%arg13 : memref<4000xi32, #tpu.memory_space<vmem>>)
        tpu.yield
      }) : () -> ()
      %scan3A_88 = arith.constant 0 : i32
      %scan3A_89 = arith.constant 0 : i32
      %scan3A_90 = arith.constant 250 : i32
      %scan3A_91 = arith.addi %scan3A_89, %scan3A_90 : i32
      %scan3A_92 = arith.constant 1 : i32
      scf.for %scan3A_100 = %scan3A_89 to %scan3A_91 step %scan3A_92  : i32 {
        %mul3A_101 = arith.constant 16 : i32
        %mul3A_102 = arith.muli %scan3A_100, %mul3A_101 : i32
        %get3A = arith.index_cast %mul3A_102 : i32 to index
        %get3A_103 = tpu.vector_load %arg10[%get3A] {strides = array<i32>} : memref<4000xi32, #tpu.memory_space<vmem>>, vector<16xi32>,
        %mul3A_104 = arith.muli %get3A_103, %broadcast_in_dim3A_24 : vector<16xi32>
        %get3A_105 = arith.index_cast %mul3A_102 : i32 to index
        %get3A_106 = tpu.vector_load %arg11[%get3A_105] {strides = array<i32>} : memref<4000xi32, #tpu.memory_space<vmem>>, vector<16xi32>,
        %add3A_107 = arith.addi %mul3A_104, %get3A_106 : vector<16xi32>
        %swap3A = arith.index_cast %mul3A_102 : i32 to index
        %swap3A_108 = tpu.vector_load %arg12[%swap3A] {strides = array<i32>} : memref<4000xi32, #tpu.memory_space<vmem>>, vector<16xi32>,
        tpu.vector_store %arg12[%swap3A], %add3A_107 {strides = array<i32>} : memref<4000xi32, #tpu.memory_space<vmem>>, vector<16xi32>,
        %get3A_109 = arith.index_cast %mul3A_102 : i32 to index
        %get3A_110 = tpu.vector_load %arg13[%get3A_109] {strides = array<i32>} : memref<4000xi32, #tpu.memory_space<vmem>>, vector<16xi32>,
        %eq3A_111 = arith.constant 0 : i32
        %eq3A_112 = arith.cmpi eq, %arg0, %eq3A_111 : i32
        %convert_element_type3A_113 = arith.extui %eq3A_112 : i1 to i32
        %cond3A_114 = arith.constant 0 : i32
        %cond3A_115 = arith.cmpi ne, %convert_element_type3A_113, %cond3A_114 : i32
        scf.if %cond3A_115 {
          tpu.vector_store_idx %arg15[%get3A_110], %broadcast_in_dim3A_22 {add = true} : memref<10240xf32, #tpu.memory_space<vmem>>[vector<16xi32>], vector<16xf32>,
        } else {
        }
        %sub3A = arith.subi %get3A_110, %add3A_30 : vector<16xi32>
        %lt3A = arith.constant 0 : i32
        %lt3A_116 = vector.broadcast %lt3A : i32 to vector<16xi32>
        %lt3A_117 = arith.cmpi slt, %sub3A, %lt3A_116 : vector<16xi32>
        %ge3A = arith.constant 5120 : i32
        %ge3A_118 = vector.broadcast %ge3A : i32 to vector<16xi32>
        %ge3A_119 = arith.cmpi sge, %sub3A, %ge3A_118 : vector<16xi32>
        %or3A = arith.ori %lt3A_117, %ge3A_119 : vector<16xi1>
        %select_n3A = arith.select %or3A, %broadcast_in_dim3A_32, %sub3A : vector<16xi1>, vector<16xi32>
        %jit3A = arith.constant 5 : i32
        %div3A = arith.divsi %scan3A_100, %jit3A : i32
        %sign3A = arith.constant 0 : i32
        %sign3A_120 = arith.cmpi sgt, %scan3A_100, %sign3A : i32
        %sign3A_121 = arith.extui %sign3A_120 : i1 to i32
        %sign3A_122 = arith.constant 0 : i32
        %sign3A_123 = arith.cmpi slt, %scan3A_100, %sign3A_122 : i32
        %sign3A_124 = arith.extui %sign3A_123 : i1 to i32
        %sign3A_125 = arith.subi %sign3A_121, %sign3A_124 : i32
        %sign3A_126 = arith.constant 0 : i32
        %sign3A_127 = arith.cmpi sgt, %jit3A, %sign3A_126 : i32
        %sign3A_128 = arith.extui %sign3A_127 : i1 to i32
        %sign3A_129 = arith.constant 0 : i32
        %sign3A_130 = arith.cmpi slt, %jit3A, %sign3A_129 : i32
        %sign3A_131 = arith.extui %sign3A_130 : i1 to i32
        %sign3A_132 = arith.subi %sign3A_128, %sign3A_131 : i32
        %ne3A = arith.cmpi ne, %sign3A_125, %sign3A_132 : i32
        %rem3A = arith.remsi %scan3A_100, %jit3A : i32
        %ne3A_133 = arith.constant 0 : i32
        %ne3A_134 = arith.cmpi ne, %rem3A, %ne3A_133 : i32
        %and3A = arith.andi %ne3A, %ne3A_134 : i1
        %sub3A_135 = arith.constant 1 : i32
        %sub3A_136 = arith.subi %div3A, %sub3A_135 : i32
        %select_n3A_137 = arith.select %and3A, %sub3A_136, %div3A : i32
        %jit3A_138 = arith.constant 5 : i32
        %eq3A_139 = arith.constant 0 : i32
        %eq3A_140 = arith.cmpi eq, %jit3A_138, %eq3A_139 : i32
        %jit3A_141 = arith.constant 1 : i32
        %select_n3A_142 = arith.select %eq3A_140, %jit3A_141, %jit3A_138 : i32
        %rem3A_143 = arith.remsi %scan3A_100, %select_n3A_142 : i32
        %ne3A_144 = arith.constant 0 : i32
        %ne3A_145 = arith.cmpi ne, %rem3A_143, %ne3A_144 : i32
        %lt3A_146 = arith.constant 0 : i32
        %lt3A_147 = arith.cmpi slt, %rem3A_143, %lt3A_146 : i32
        %lt3A_148 = arith.constant 0 : i32
        %lt3A_149 = arith.cmpi slt, %select_n3A_142, %lt3A_148 : i32
        %ne3A_150 = arith.xori %lt3A_147, %lt3A_149 : i1
        %and3A_151 = arith.andi %ne3A_150, %ne3A_145 : i1
        %add3A_152 = arith.addi %rem3A_143, %select_n3A_142 : i32
        %select_n3A_153 = arith.select %and3A_151, %add3A_152, %rem3A_143 : i32
        %mul3A_154 = arith.constant 16 : i32
        %mul3A_155 = arith.muli %select_n3A_153, %mul3A_154 : i32
        %swap3A_156 = arith.index_cast %select_n3A_137 : i32 to index
        %swap3A_157 = arith.index_cast %mul3A_155 : i32 to index
        %swap3A_158 = tpu.vector_load %arg14[%swap3A_156, %swap3A_157] {strides = array<i32>} : memref<50x80xi32, #tpu.memory_space<vmem>>, vector<16xi32>,
        tpu.vector_store %arg14[%swap3A_156, %swap3A_157], %select_n3A {strides = array<i32>} : memref<50x80xi32, #tpu.memory_space<vmem>>, vector<16xi32>,
      }
      %scan3A_93 = arith.constant 250 : i32
      %scan3A_94 = arith.constant 0 : i32
      %scan3A_95 = arith.constant 0 : i32
      %scan3A_96 = arith.constant 25 : i32
      %scan3A_97 = arith.addi %scan3A_95, %scan3A_96 : i32
      %scan3A_98 = arith.constant 1 : i32
      scf.for %scan3A_100 = %scan3A_95 to %scan3A_97 step %scan3A_98  : i32 {
        %mul3A_101 = arith.constant 2 : i32
        %mul3A_102 = arith.muli %mul3A_101, %scan3A_100 : i32
        %add3A_103 = arith.constant 1 : i32
        %add3A_104 = arith.addi %mul3A_102, %add3A_103 : i32
        %mul3A_105 = arith.constant 80 : i32
        %mul3A_106 = arith.muli %mul3A_102, %mul3A_105 : i32
        %dma_start3A = arith.constant 0 : i32
        %dma_start3A_107 = arith.constant 0 : i32
        %dma_start3A_108 = arith.constant 0 : i32
        %dma_start3A_109 = tpu.memref_slice %arg16[%dma_start3A, %dma_start3A_107, %dma_start3A_108] : memref<2x80x128xf32, #tpu.memory_space<vmem>> -> memref<1x80x128xf32, #tpu.memory_space<vmem>>
        %dma_start3A_110 = tpu.memref_squeeze %dma_start3A_109 : memref<1x80x128xf32, #tpu.memory_space<vmem>> -> memref<80x128xf32, #tpu.memory_space<vmem>>
        %dma_start3A_111 = tpu.memref_slice %arg12[%mul3A_106] : memref<4000xi32, #tpu.memory_space<vmem>> -> memref<80xi32, #tpu.memory_space<vmem>>
        %dma_start3A_112 = arith.constant 0 : i32
        %dma_start3A_113 = arith.constant 0 : i32
        %dma_start3A_114 = tpu.memref_slice %arg2[%dma_start3A_112, %dma_start3A_113] : memref<160000x128xf32, #tpu.memory_space<hbm>> -> memref<160000x128xf32, #tpu.memory_space<hbm>>
        tpu.enqueue_indirect_dma source(%dma_start3A_114 : memref<160000x128xf32, #tpu.memory_space<hbm>>) target(%dma_start3A_110 : memref<80x128xf32, #tpu.memory_space<vmem>>) offsets(%dma_start3A_111 : memref<80xi32, #tpu.memory_space<vmem>>) semaphore(%arg18 : memref<!tpu.dma_semaphore, #tpu.memory_space<semaphore_mem>>)
        %mul3A_115 = arith.constant 80 : i32
        %mul3A_116 = arith.muli %add3A_104, %mul3A_115 : i32
        %dma_start3A_117 = arith.constant 1 : i32
        %dma_start3A_118 = arith.constant 0 : i32
        %dma_start3A_119 = arith.constant 0 : i32
        %dma_start3A_120 = tpu.memref_slice %arg16[%dma_start3A_117, %dma_start3A_118, %dma_start3A_119] : memref<2x80x128xf32, #tpu.memory_space<vmem>> -> memref<1x80x128xf32, #tpu.memory_space<vmem>>
        %dma_start3A_121 = tpu.memref_squeeze %dma_start3A_120 : memref<1x80x128xf32, #tpu.memory_space<vmem>> -> memref<80x128xf32, #tpu.memory_space<vmem>>
        %dma_start3A_122 = tpu.memref_slice %arg12[%mul3A_116] : memref<4000xi32, #tpu.memory_space<vmem>> -> memref<80xi32, #tpu.memory_space<vmem>>
        %dma_start3A_123 = arith.constant 0 : i32
        %dma_start3A_124 = arith.constant 0 : i32
        %dma_start3A_125 = tpu.memref_slice %arg2[%dma_start3A_123, %dma_start3A_124] : memref<160000x128xf32, #tpu.memory_space<hbm>> -> memref<160000x128xf32, #tpu.memory_space<hbm>>
        tpu.enqueue_indirect_dma source(%dma_start3A_125 : memref<160000x128xf32, #tpu.memory_space<hbm>>) target(%dma_start3A_121 : memref<80x128xf32, #tpu.memory_space<vmem>>) offsets(%dma_start3A_122 : memref<80xi32, #tpu.memory_space<vmem>>) semaphore(%arg19 : memref<!tpu.dma_semaphore, #tpu.memory_space<semaphore_mem>>)
        %dma_wait3A = arith.constant 0 : i32
        %dma_wait3A_126 = arith.constant 0 : i32
        %dma_wait3A_127 = arith.constant 0 : i32
        %dma_wait3A_128 = tpu.memref_slice %arg16[%dma_wait3A, %dma_wait3A_126, %dma_wait3A_127] : memref<2x80x128xf32, #tpu.memory_space<vmem>> -> memref<1x80x128xf32, #tpu.memory_space<vmem>>
        %dma_wait3A_129 = tpu.memref_squeeze %dma_wait3A_128 : memref<1x80x128xf32, #tpu.memory_space<vmem>> -> memref<80x128xf32, #tpu.memory_space<vmem>>
        %dma_wait3A_130 = tpu.memref_slice %arg12[%mul3A_106] : memref<4000xi32, #tpu.memory_space<vmem>> -> memref<80xi32, #tpu.memory_space<vmem>>
        %dma_wait3A_131 = arith.constant 0 : i32
        %dma_wait3A_132 = arith.constant 0 : i32
        %dma_wait3A_133 = tpu.memref_slice %arg2[%dma_wait3A_131, %dma_wait3A_132] : memref<160000x128xf32, #tpu.memory_space<hbm>> -> memref<160000x128xf32, #tpu.memory_space<hbm>>
        tpu.wait_indirect_dma semaphore(%arg18 : memref<!tpu.dma_semaphore, #tpu.memory_space<semaphore_mem>>) src(%dma_wait3A_133 : memref<160000x128xf32, #tpu.memory_space<hbm>>) dst(%dma_wait3A_129 : memref<80x128xf32, #tpu.memory_space<vmem>>)
        %run_scoped3A_134 = arith.constant 0 : i32
        "tpu.region"() ({
          %run_scoped3A_145 = tpu.sem_alloc : memref<!tpu.dma_semaphore, #tpu.memory_space<semaphore_mem>>
          %dma_start3A_146 = arith.constant 0 : i32
          %dma_start3A_147 = arith.constant 0 : i32
          %dma_start3A_148 = tpu.memref_slice %arg16[%run_scoped3A_134, %dma_start3A_146, %dma_start3A_147] : memref<2x80x128xf32, #tpu.memory_space<vmem>> -> memref<1x80x128xf32, #tpu.memory_space<vmem>>
          %dma_start3A_149 = tpu.memref_squeeze %dma_start3A_148 : memref<1x80x128xf32, #tpu.memory_space<vmem>> -> memref<80x128xf32, #tpu.memory_space<vmem>>
          %dma_start3A_150 = arith.constant 0 : i32
          %dma_start3A_151 = tpu.memref_slice %arg14[%mul3A_102, %dma_start3A_150] : memref<50x80xi32, #tpu.memory_space<vmem>> -> memref<1x80xi32, #tpu.memory_space<vmem>>
          %dma_start3A_152 = tpu.memref_squeeze %dma_start3A_151 : memref<1x80xi32, #tpu.memory_space<vmem>> -> memref<80xi32, #tpu.memory_space<vmem>>
          %dma_start3A_153 = arith.constant 0 : i32
          %dma_start3A_154 = arith.constant 0 : i32
          %dma_start3A_155 = tpu.memref_slice %arg17[%dma_start3A_153, %dma_start3A_154] : memref<5128x128xf32, #tpu.memory_space<vmem_shared>> -> memref<5128x128xf32, #tpu.memory_space<vmem_shared>>
          tpu.enqueue_indirect_dma source(%dma_start3A_149 : memref<80x128xf32, #tpu.memory_space<vmem>>) target(%dma_start3A_155 : memref<5128x128xf32, #tpu.memory_space<vmem_shared>>) offsets(%dma_start3A_152 : memref<80xi32, #tpu.memory_space<vmem>>) semaphore(%run_scoped3A_145 : memref<!tpu.dma_semaphore, #tpu.memory_space<semaphore_mem>>) {add = true}
          %dma_wait3A_156 = arith.constant 0 : i32
          %dma_wait3A_157 = arith.constant 0 : i32
          %dma_wait3A_158 = tpu.memref_slice %arg16[%run_scoped3A_134, %dma_wait3A_156, %dma_wait3A_157] : memref<2x80x128xf32, #tpu.memory_space<vmem>> -> memref<1x80x128xf32, #tpu.memory_space<vmem>>
          %dma_wait3A_159 = tpu.memref_squeeze %dma_wait3A_158 : memref<1x80x128xf32, #tpu.memory_space<vmem>> -> memref<80x128xf32, #tpu.memory_space<vmem>>
          %dma_wait3A_160 = arith.constant 0 : i32
          %dma_wait3A_161 = tpu.memref_slice %arg14[%mul3A_102, %dma_wait3A_160] : memref<50x80xi32, #tpu.memory_space<vmem>> -> memref<1x80xi32, #tpu.memory_space<vmem>>
          %dma_wait3A_162 = tpu.memref_squeeze %dma_wait3A_161 : memref<1x80xi32, #tpu.memory_space<vmem>> -> memref<80xi32, #tpu.memory_space<vmem>>
          %dma_wait3A_163 = arith.constant 0 : i32
          %dma_wait3A_164 = arith.constant 0 : i32
          %dma_wait3A_165 = tpu.memref_slice %arg17[%dma_wait3A_163, %dma_wait3A_164] : memref<5128x128xf32, #tpu.memory_space<vmem_shared>> -> memref<5128x128xf32, #tpu.memory_space<vmem_shared>>
          tpu.wait_indirect_dma semaphore(%run_scoped3A_145 : memref<!tpu.dma_semaphore, #tpu.memory_space<semaphore_mem>>) src(%dma_wait3A_159 : memref<80x128xf32, #tpu.memory_space<vmem>>) dst(%dma_wait3A_165 : memref<5128x128xf32, #tpu.memory_space<vmem_shared>>)
          tpu.yield
        }) : () -> ()
        %dma_wait3A_135 = arith.constant 1 : i32
        %dma_wait3A_136 = arith.constant 0 : i32
        %dma_wait3A_137 = arith.constant 0 : i32
        %dma_wait3A_138 = tpu.memref_slice %arg16[%dma_wait3A_135, %dma_wait3A_136, %dma_wait3A_137] : memref<2x80x128xf32, #tpu.memory_space<vmem>> -> memref<1x80x128xf32, #tpu.memory_space<vmem>>
        %dma_wait3A_139 = tpu.memref_squeeze %dma_wait3A_138 : memref<1x80x128xf32, #tpu.memory_space<vmem>> -> memref<80x128xf32, #tpu.memory_space<vmem>>
        %dma_wait3A_140 = tpu.memref_slice %arg12[%mul3A_116] : memref<4000xi32, #tpu.memory_space<vmem>> -> memref<80xi32, #tpu.memory_space<vmem>>
        %dma_wait3A_141 = arith.constant 0 : i32
        %dma_wait3A_142 = arith.constant 0 : i32
        %dma_wait3A_143 = tpu.memref_slice %arg2[%dma_wait3A_141, %dma_wait3A_142] : memref<160000x128xf32, #tpu.memory_space<hbm>> -> memref<160000x128xf32, #tpu.memory_space<hbm>>
        tpu.wait_indirect_dma semaphore(%arg19 : memref<!tpu.dma_semaphore, #tpu.memory_space<semaphore_mem>>) src(%dma_wait3A_143 : memref<160000x128xf32, #tpu.memory_space<hbm>>) dst(%dma_wait3A_139 : memref<80x128xf32, #tpu.memory_space<vmem>>)
        %run_scoped3A_144 = arith.constant 1 : i32
        "tpu.region"() ({
          %run_scoped3A_145 = tpu.sem_alloc : memref<!tpu.dma_semaphore, #tpu.memory_space<semaphore_mem>>
          %dma_start3A_146 = arith.constant 0 : i32
          %dma_start3A_147 = arith.constant 0 : i32
          %dma_start3A_148 = tpu.memref_slice %arg16[%run_scoped3A_144, %dma_start3A_146, %dma_start3A_147] : memref<2x80x128xf32, #tpu.memory_space<vmem>> -> memref<1x80x128xf32, #tpu.memory_space<vmem>>
          %dma_start3A_149 = tpu.memref_squeeze %dma_start3A_148 : memref<1x80x128xf32, #tpu.memory_space<vmem>> -> memref<80x128xf32, #tpu.memory_space<vmem>>
          %dma_start3A_150 = arith.constant 0 : i32
          %dma_start3A_151 = tpu.memref_slice %arg14[%add3A_104, %dma_start3A_150] : memref<50x80xi32, #tpu.memory_space<vmem>> -> memref<1x80xi32, #tpu.memory_space<vmem>>
          %dma_start3A_152 = tpu.memref_squeeze %dma_start3A_151 : memref<1x80xi32, #tpu.memory_space<vmem>> -> memref<80xi32, #tpu.memory_space<vmem>>
          %dma_start3A_153 = arith.constant 0 : i32
          %dma_start3A_154 = arith.constant 0 : i32
          %dma_start3A_155 = tpu.memref_slice %arg17[%dma_start3A_153, %dma_start3A_154] : memref<5128x128xf32, #tpu.memory_space<vmem_shared>> -> memref<5128x128xf32, #tpu.memory_space<vmem_shared>>
          tpu.enqueue_indirect_dma source(%dma_start3A_149 : memref<80x128xf32, #tpu.memory_space<vmem>>) target(%dma_start3A_155 : memref<5128x128xf32, #tpu.memory_space<vmem_shared>>) offsets(%dma_start3A_152 : memref<80xi32, #tpu.memory_space<vmem>>) semaphore(%run_scoped3A_145 : memref<!tpu.dma_semaphore, #tpu.memory_space<semaphore_mem>>) {add = true}
          %dma_wait3A_156 = arith.constant 0 : i32
          %dma_wait3A_157 = arith.constant 0 : i32
          %dma_wait3A_158 = tpu.memref_slice %arg16[%run_scoped3A_144, %dma_wait3A_156, %dma_wait3A_157] : memref<2x80x128xf32, #tpu.memory_space<vmem>> -> memref<1x80x128xf32, #tpu.memory_space<vmem>>
          %dma_wait3A_159 = tpu.memref_squeeze %dma_wait3A_158 : memref<1x80x128xf32, #tpu.memory_space<vmem>> -> memref<80x128xf32, #tpu.memory_space<vmem>>
          %dma_wait3A_160 = arith.constant 0 : i32
          %dma_wait3A_161 = tpu.memref_slice %arg14[%add3A_104, %dma_wait3A_160] : memref<50x80xi32, #tpu.memory_space<vmem>> -> memref<1x80xi32, #tpu.memory_space<vmem>>
          %dma_wait3A_162 = tpu.memref_squeeze %dma_wait3A_161 : memref<1x80xi32, #tpu.memory_space<vmem>> -> memref<80xi32, #tpu.memory_space<vmem>>
          %dma_wait3A_163 = arith.constant 0 : i32
          %dma_wait3A_164 = arith.constant 0 : i32
          %dma_wait3A_165 = tpu.memref_slice %arg17[%dma_wait3A_163, %dma_wait3A_164] : memref<5128x128xf32, #tpu.memory_space<vmem_shared>> -> memref<5128x128xf32, #tpu.memory_space<vmem_shared>>
          tpu.wait_indirect_dma semaphore(%run_scoped3A_145 : memref<!tpu.dma_semaphore, #tpu.memory_space<semaphore_mem>>) src(%dma_wait3A_159 : memref<80x128xf32, #tpu.memory_space<vmem>>) dst(%dma_wait3A_165 : memref<5128x128xf32, #tpu.memory_space<vmem_shared>>)
          tpu.yield
        }) : () -> ()
      }
      %scan3A_99 = arith.constant 25 : i32
    }
    %scan3A_37 = arith.constant 5 : i32
    %barrier3A_38 = arith.constant 0 : index
    tpu.barrier barrier_id(%barrier3A_38)
    %mul3A_39 = arith.constant 320 : i32
    %mul3A_40 = arith.muli %arg1, %mul3A_39 : i32
    %add3A_41 = arith.constant 0 : i32
    %add3A_42 = arith.addi %mul3A_40, %add3A_41 : i32
    %run_scoped3A_43 = arith.constant 1 : i32
    "tpu.region"() ({
      %run_scoped3A_84 = tpu.sem_alloc : memref<!tpu.dma_semaphore, #tpu.memory_space<semaphore_mem>>
      %dma_start3A = arith.constant 0 : i32
      %dma_start3A_85 = arith.constant 0 : i32
      %dma_start3A_86 = tpu.memref_slice %arg16[%run_scoped3A_43, %dma_start3A, %dma_start3A_85] : memref<2x80x128xf32, #tpu.memory_space<vmem>> -> memref<1x80x128xf32, #tpu.memory_space<vmem>>
      %dma_start3A_87 = tpu.memref_squeeze %dma_start3A_86 : memref<1x80x128xf32, #tpu.memory_space<vmem>> -> memref<80x128xf32, #tpu.memory_space<vmem>>
      %dma_start3A_88 = arith.constant 0 : i32
      %dma_start3A_89 = tpu.memref_slice %arg17[%add3A_42, %dma_start3A_88] : memref<5128x128xf32, #tpu.memory_space<vmem_shared>> -> memref<80x128xf32, #tpu.memory_space<vmem_shared>>
      %dma_start3A_90 = arith.constant 0 : i32
      %dma_start3A_91 = arith.constant 0 : i32
      %dma_start3A_92 = tpu.memref_slice %arg16[%run_scoped3A_43, %dma_start3A_90, %dma_start3A_91] : memref<2x80x128xf32, #tpu.memory_space<vmem>> -> memref<1x80x128xf32, #tpu.memory_space<vmem>>
      %dma_start3A_93 = tpu.memref_squeeze %dma_start3A_92 : memref<1x80x128xf32, #tpu.memory_space<vmem>> -> memref<80x128xf32, #tpu.memory_space<vmem>>
      %dma_start3A_94 = arith.constant 0 : i32
      %dma_start3A_95 = tpu.memref_slice %arg17[%add3A_42, %dma_start3A_94] : memref<5128x128xf32, #tpu.memory_space<vmem_shared>> -> memref<80x128xf32, #tpu.memory_space<vmem_shared>>
      tpu.enqueue_dma source(%dma_start3A_95 : memref<80x128xf32, #tpu.memory_space<vmem_shared>>) target(%dma_start3A_93 : memref<80x128xf32, #tpu.memory_space<vmem>>) target_semaphore(%run_scoped3A_84 : memref<!tpu.dma_semaphore, #tpu.memory_space<semaphore_mem>>)
      %dma_wait3A = arith.constant 0 : i32
      %dma_wait3A_96 = arith.constant 0 : i32
      %dma_wait3A_97 = tpu.memref_slice %arg16[%run_scoped3A_43, %dma_wait3A, %dma_wait3A_96] : memref<2x80x128xf32, #tpu.memory_space<vmem>> -> memref<1x80x128xf32, #tpu.memory_space<vmem>>
      %dma_wait3A_98 = tpu.memref_squeeze %dma_wait3A_97 : memref<1x80x128xf32, #tpu.memory_space<vmem>> -> memref<80x128xf32, #tpu.memory_space<vmem>>
      %dma_wait3A_99 = arith.constant 0 : i32
      %dma_wait3A_100 = tpu.memref_slice %arg17[%add3A_42, %dma_wait3A_99] : memref<5128x128xf32, #tpu.memory_space<vmem_shared>> -> memref<80x128xf32, #tpu.memory_space<vmem_shared>>
      %dma_wait3A_101 = arith.constant 0 : i32
      %dma_wait3A_102 = arith.constant 0 : i32
      %dma_wait3A_103 = tpu.memref_slice %arg16[%run_scoped3A_43, %dma_wait3A_101, %dma_wait3A_102] : memref<2x80x128xf32, #tpu.memory_space<vmem>> -> memref<1x80x128xf32, #tpu.memory_space<vmem>>
      %dma_wait3A_104 = tpu.memref_squeeze %dma_wait3A_103 : memref<1x80x128xf32, #tpu.memory_space<vmem>> -> memref<80x128xf32, #tpu.memory_space<vmem>>
      %dma_wait3A_105 = arith.constant 0 : i32
      %dma_wait3A_106 = tpu.memref_slice %arg17[%add3A_42, %dma_wait3A_105] : memref<5128x128xf32, #tpu.memory_space<vmem_shared>> -> memref<80x128xf32, #tpu.memory_space<vmem_shared>>
      tpu.wait_dma2 semaphore(%run_scoped3A_84 : memref<!tpu.dma_semaphore, #tpu.memory_space<semaphore_mem>>) src(%dma_wait3A_106 : memref<80x128xf32, #tpu.memory_space<vmem_shared>>) dst(%dma_wait3A_104 : memref<80x128xf32, #tpu.memory_space<vmem>>)
      tpu.yield
    }) : () -> ()
    %mul3A_44 = arith.constant 320 : i32
    %mul3A_45 = arith.muli %arg1, %mul3A_44 : i32
    %add3A_46 = arith.constant 0 : i32
    %add3A_47 = arith.addi %mul3A_45, %add3A_46 : i32
    %run_scoped3A_48 = arith.constant 1 : i32
    "tpu.region"() ({
      %run_scoped3A_84 = tpu.sem_alloc : memref<!tpu.dma_semaphore, #tpu.memory_space<semaphore_mem>>
      %dma_start3A = arith.constant 0 : i32
      %dma_start3A_85 = arith.constant 0 : i32
      %dma_start3A_86 = tpu.memref_slice %arg16[%run_scoped3A_48, %dma_start3A, %dma_start3A_85] : memref<2x80x128xf32, #tpu.memory_space<vmem>> -> memref<1x80x128xf32, #tpu.memory_space<vmem>>
      %dma_start3A_87 = tpu.memref_squeeze %dma_start3A_86 : memref<1x80x128xf32, #tpu.memory_space<vmem>> -> memref<80x128xf32, #tpu.memory_space<vmem>>
      %dma_start3A_88 = arith.constant 0 : i32
      %dma_start3A_89 = tpu.memref_slice %arg8[%arg0, %add3A_47, %dma_start3A_88] : memref<2x5120x128xf32, #tpu.memory_space<hbm>> -> memref<1x80x128xf32, #tpu.memory_space<hbm>>
      %dma_start3A_90 = tpu.memref_squeeze %dma_start3A_89 : memref<1x80x128xf32, #tpu.memory_space<hbm>> -> memref<80x128xf32, #tpu.memory_space<hbm>>
      %dma_start3A_91 = arith.constant 0 : i32
      %dma_start3A_92 = tpu.memref_slice %arg8[%arg0, %add3A_47, %dma_start3A_91] : memref<2x5120x128xf32, #tpu.memory_space<hbm>> -> memref<1x80x128xf32, #tpu.memory_space<hbm>>
      %dma_start3A_93 = tpu.memref_squeeze %dma_start3A_92 : memref<1x80x128xf32, #tpu.memory_space<hbm>> -> memref<80x128xf32, #tpu.memory_space<hbm>>
      %dma_start3A_94 = arith.constant 0 : i32
      %dma_start3A_95 = arith.constant 0 : i32
      %dma_start3A_96 = tpu.memref_slice %arg16[%run_scoped3A_48, %dma_start3A_94, %dma_start3A_95] : memref<2x80x128xf32, #tpu.memory_space<vmem>> -> memref<1x80x128xf32, #tpu.memory_space<vmem>>
      %dma_start3A_97 = tpu.memref_squeeze %dma_start3A_96 : memref<1x80x128xf32, #tpu.memory_space<vmem>> -> memref<80x128xf32, #tpu.memory_space<vmem>>
      tpu.enqueue_dma source(%dma_start3A_97 : memref<80x128xf32, #tpu.memory_space<vmem>>) target(%dma_start3A_93 : memref<80x128xf32, #tpu.memory_space<hbm>>) target_semaphore(%run_scoped3A_84 : memref<!tpu.dma_semaphore, #tpu.memory_space<semaphore_mem>>)
      %dma_wait3A = arith.constant 0 : i32
      %dma_wait3A_98 = arith.constant 0 : i32
      %dma_wait3A_99 = tpu.memref_slice %arg16[%run_scoped3A_48, %dma_wait3A, %dma_wait3A_98] : memref<2x80x128xf32, #tpu.memory_space<vmem>> -> memref<1x80x128xf32, #tpu.memory_space<vmem>>
      %dma_wait3A_100 = tpu.memref_squeeze %dma_wait3A_99 : memref<1x80x128xf32, #tpu.memory_space<vmem>> -> memref<80x128xf32, #tpu.memory_space<vmem>>
      %dma_wait3A_101 = arith.constant 0 : i32
      %dma_wait3A_102 = tpu.memref_slice %arg8[%arg0, %add3A_47, %dma_wait3A_101] : memref<2x5120x128xf32, #tpu.memory_space<hbm>> -> memref<1x80x128xf32, #tpu.memory_space<hbm>>
      %dma_wait3A_103 = tpu.memref_squeeze %dma_wait3A_102 : memref<1x80x128xf32, #tpu.memory_space<hbm>> -> memref<80x128xf32, #tpu.memory_space<hbm>>
      %dma_wait3A_104 = arith.constant 0 : i32
      %dma_wait3A_105 = tpu.memref_slice %arg8[%arg0, %add3A_47, %dma_wait3A_104] : memref<2x5120x128xf32, #tpu.memory_space<hbm>> -> memref<1x80x128xf32, #tpu.memory_space<hbm>>
      %dma_wait3A_106 = tpu.memref_squeeze %dma_wait3A_105 : memref<1x80x128xf32, #tpu.memory_space<hbm>> -> memref<80x128xf32, #tpu.memory_space<hbm>>
      %dma_wait3A_107 = arith.constant 0 : i32
      %dma_wait3A_108 = arith.constant 0 : i32
      %dma_wait3A_109 = tpu.memref_slice %arg16[%run_scoped3A_48, %dma_wait3A_107, %dma_wait3A_108] : memref<2x80x128xf32, #tpu.memory_space<vmem>> -> memref<1x80x128xf32, #tpu.memory_space<vmem>>
      %dma_wait3A_110 = tpu.memref_squeeze %dma_wait3A_109 : memref<1x80x128xf32, #tpu.memory_space<vmem>> -> memref<80x128xf32, #tpu.memory_space<vmem>>
      tpu.wait_dma2 semaphore(%run_scoped3A_84 : memref<!tpu.dma_semaphore, #tpu.memory_space<semaphore_mem>>) src(%dma_wait3A_110 : memref<80x128xf32, #tpu.memory_space<vmem>>) dst(%dma_wait3A_106 : memref<80x128xf32, #tpu.memory_space<hbm>>)
      tpu.yield
    }) : () -> ()
    %mul3A_49 = arith.constant 320 : i32
    %mul3A_50 = arith.muli %arg1, %mul3A_49 : i32
    %add3A_51 = arith.constant 80 : i32
    %add3A_52 = arith.addi %mul3A_50, %add3A_51 : i32
    %run_scoped3A_53 = arith.constant 1 : i32
    "tpu.region"() ({
      %run_scoped3A_84 = tpu.sem_alloc : memref<!tpu.dma_semaphore, #tpu.memory_space<semaphore_mem>>
      %dma_start3A = arith.constant 0 : i32
      %dma_start3A_85 = arith.constant 0 : i32
      %dma_start3A_86 = tpu.memref_slice %arg16[%run_scoped3A_53, %dma_start3A, %dma_start3A_85] : memref<2x80x128xf32, #tpu.memory_space<vmem>> -> memref<1x80x128xf32, #tpu.memory_space<vmem>>
      %dma_start3A_87 = tpu.memref_squeeze %dma_start3A_86 : memref<1x80x128xf32, #tpu.memory_space<vmem>> -> memref<80x128xf32, #tpu.memory_space<vmem>>
      %dma_start3A_88 = arith.constant 0 : i32
      %dma_start3A_89 = tpu.memref_slice %arg17[%add3A_52, %dma_start3A_88] : memref<5128x128xf32, #tpu.memory_space<vmem_shared>> -> memref<80x128xf32, #tpu.memory_space<vmem_shared>>
      %dma_start3A_90 = arith.constant 0 : i32
      %dma_start3A_91 = arith.constant 0 : i32
      %dma_start3A_92 = tpu.memref_slice %arg16[%run_scoped3A_53, %dma_start3A_90, %dma_start3A_91] : memref<2x80x128xf32, #tpu.memory_space<vmem>> -> memref<1x80x128xf32, #tpu.memory_space<vmem>>
      %dma_start3A_93 = tpu.memref_squeeze %dma_start3A_92 : memref<1x80x128xf32, #tpu.memory_space<vmem>> -> memref<80x128xf32, #tpu.memory_space<vmem>>
      %dma_start3A_94 = arith.constant 0 : i32
      %dma_start3A_95 = tpu.memref_slice %arg17[%add3A_52, %dma_start3A_94] : memref<5128x128xf32, #tpu.memory_space<vmem_shared>> -> memref<80x128xf32, #tpu.memory_space<vmem_shared>>
      tpu.enqueue_dma source(%dma_start3A_95 : memref<80x128xf32, #tpu.memory_space<vmem_shared>>) target(%dma_start3A_93 : memref<80x128xf32, #tpu.memory_space<vmem>>) target_semaphore(%run_scoped3A_84 : memref<!tpu.dma_semaphore, #tpu.memory_space<semaphore_mem>>)
      %dma_wait3A = arith.constant 0 : i32
      %dma_wait3A_96 = arith.constant 0 : i32
      %dma_wait3A_97 = tpu.memref_slice %arg16[%run_scoped3A_53, %dma_wait3A, %dma_wait3A_96] : memref<2x80x128xf32, #tpu.memory_space<vmem>> -> memref<1x80x128xf32, #tpu.memory_space<vmem>>
      %dma_wait3A_98 = tpu.memref_squeeze %dma_wait3A_97 : memref<1x80x128xf32, #tpu.memory_space<vmem>> -> memref<80x128xf32, #tpu.memory_space<vmem>>
      %dma_wait3A_99 = arith.constant 0 : i32
      %dma_wait3A_100 = tpu.memref_slice %arg17[%add3A_52, %dma_wait3A_99] : memref<5128x128xf32, #tpu.memory_space<vmem_shared>> -> memref<80x128xf32, #tpu.memory_space<vmem_shared>>
      %dma_wait3A_101 = arith.constant 0 : i32
      %dma_wait3A_102 = arith.constant 0 : i32
      %dma_wait3A_103 = tpu.memref_slice %arg16[%run_scoped3A_53, %dma_wait3A_101, %dma_wait3A_102] : memref<2x80x128xf32, #tpu.memory_space<vmem>> -> memref<1x80x128xf32, #tpu.memory_space<vmem>>
      %dma_wait3A_104 = tpu.memref_squeeze %dma_wait3A_103 : memref<1x80x128xf32, #tpu.memory_space<vmem>> -> memref<80x128xf32, #tpu.memory_space<vmem>>
      %dma_wait3A_105 = arith.constant 0 : i32
      %dma_wait3A_106 = tpu.memref_slice %arg17[%add3A_52, %dma_wait3A_105] : memref<5128x128xf32, #tpu.memory_space<vmem_shared>> -> memref<80x128xf32, #tpu.memory_space<vmem_shared>>
      tpu.wait_dma2 semaphore(%run_scoped3A_84 : memref<!tpu.dma_semaphore, #tpu.memory_space<semaphore_mem>>) src(%dma_wait3A_106 : memref<80x128xf32, #tpu.memory_space<vmem_shared>>) dst(%dma_wait3A_104 : memref<80x128xf32, #tpu.memory_space<vmem>>)
      tpu.yield
    }) : () -> ()
    %mul3A_54 = arith.constant 320 : i32
    %mul3A_55 = arith.muli %arg1, %mul3A_54 : i32
    %add3A_56 = arith.constant 80 : i32
    %add3A_57 = arith.addi %mul3A_55, %add3A_56 : i32
    %run_scoped3A_58 = arith.constant 1 : i32
    "tpu.region"() ({
      %run_scoped3A_84 = tpu.sem_alloc : memref<!tpu.dma_semaphore, #tpu.memory_space<semaphore_mem>>
      %dma_start3A = arith.constant 0 : i32
      %dma_start3A_85 = arith.constant 0 : i32
      %dma_start3A_86 = tpu.memref_slice %arg16[%run_scoped3A_58, %dma_start3A, %dma_start3A_85] : memref<2x80x128xf32, #tpu.memory_space<vmem>> -> memref<1x80x128xf32, #tpu.memory_space<vmem>>
      %dma_start3A_87 = tpu.memref_squeeze %dma_start3A_86 : memref<1x80x128xf32, #tpu.memory_space<vmem>> -> memref<80x128xf32, #tpu.memory_space<vmem>>
      %dma_start3A_88 = arith.constant 0 : i32
      %dma_start3A_89 = tpu.memref_slice %arg8[%arg0, %add3A_57, %dma_start3A_88] : memref<2x5120x128xf32, #tpu.memory_space<hbm>> -> memref<1x80x128xf32, #tpu.memory_space<hbm>>
      %dma_start3A_90 = tpu.memref_squeeze %dma_start3A_89 : memref<1x80x128xf32, #tpu.memory_space<hbm>> -> memref<80x128xf32, #tpu.memory_space<hbm>>
      %dma_start3A_91 = arith.constant 0 : i32
      %dma_start3A_92 = tpu.memref_slice %arg8[%arg0, %add3A_57, %dma_start3A_91] : memref<2x5120x128xf32, #tpu.memory_space<hbm>> -> memref<1x80x128xf32, #tpu.memory_space<hbm>>
      %dma_start3A_93 = tpu.memref_squeeze %dma_start3A_92 : memref<1x80x128xf32, #tpu.memory_space<hbm>> -> memref<80x128xf32, #tpu.memory_space<hbm>>
      %dma_start3A_94 = arith.constant 0 : i32
      %dma_start3A_95 = arith.constant 0 : i32
      %dma_start3A_96 = tpu.memref_slice %arg16[%run_scoped3A_58, %dma_start3A_94, %dma_start3A_95] : memref<2x80x128xf32, #tpu.memory_space<vmem>> -> memref<1x80x128xf32, #tpu.memory_space<vmem>>
      %dma_start3A_97 = tpu.memref_squeeze %dma_start3A_96 : memref<1x80x128xf32, #tpu.memory_space<vmem>> -> memref<80x128xf32, #tpu.memory_space<vmem>>
      tpu.enqueue_dma source(%dma_start3A_97 : memref<80x128xf32, #tpu.memory_space<vmem>>) target(%dma_start3A_93 : memref<80x128xf32, #tpu.memory_space<hbm>>) target_semaphore(%run_scoped3A_84 : memref<!tpu.dma_semaphore, #tpu.memory_space<semaphore_mem>>)
      %dma_wait3A = arith.constant 0 : i32
      %dma_wait3A_98 = arith.constant 0 : i32
      %dma_wait3A_99 = tpu.memref_slice %arg16[%run_scoped3A_58, %dma_wait3A, %dma_wait3A_98] : memref<2x80x128xf32, #tpu.memory_space<vmem>> -> memref<1x80x128xf32, #tpu.memory_space<vmem>>
      %dma_wait3A_100 = tpu.memref_squeeze %dma_wait3A_99 : memref<1x80x128xf32, #tpu.memory_space<vmem>> -> memref<80x128xf32, #tpu.memory_space<vmem>>
      %dma_wait3A_101 = arith.constant 0 : i32
      %dma_wait3A_102 = tpu.memref_slice %arg8[%arg0, %add3A_57, %dma_wait3A_101] : memref<2x5120x128xf32, #tpu.memory_space<hbm>> -> memref<1x80x128xf32, #tpu.memory_space<hbm>>
      %dma_wait3A_103 = tpu.memref_squeeze %dma_wait3A_102 : memref<1x80x128xf32, #tpu.memory_space<hbm>> -> memref<80x128xf32, #tpu.memory_space<hbm>>
      %dma_wait3A_104 = arith.constant 0 : i32
      %dma_wait3A_105 = tpu.memref_slice %arg8[%arg0, %add3A_57, %dma_wait3A_104] : memref<2x5120x128xf32, #tpu.memory_space<hbm>> -> memref<1x80x128xf32, #tpu.memory_space<hbm>>
      %dma_wait3A_106 = tpu.memref_squeeze %dma_wait3A_105 : memref<1x80x128xf32, #tpu.memory_space<hbm>> -> memref<80x128xf32, #tpu.memory_space<hbm>>
      %dma_wait3A_107 = arith.constant 0 : i32
      %dma_wait3A_108 = arith.constant 0 : i32
      %dma_wait3A_109 = tpu.memref_slice %arg16[%run_scoped3A_58, %dma_wait3A_107, %dma_wait3A_108] : memref<2x80x128xf32, #tpu.memory_space<vmem>> -> memref<1x80x128xf32, #tpu.memory_space<vmem>>
      %dma_wait3A_110 = tpu.memref_squeeze %dma_wait3A_109 : memref<1x80x128xf32, #tpu.memory_space<vmem>> -> memref<80x128xf32, #tpu.memory_space<vmem>>
      tpu.wait_dma2 semaphore(%run_scoped3A_84 : memref<!tpu.dma_semaphore, #tpu.memory_space<semaphore_mem>>) src(%dma_wait3A_110 : memref<80x128xf32, #tpu.memory_space<vmem>>) dst(%dma_wait3A_106 : memref<80x128xf32, #tpu.memory_space<hbm>>)
      tpu.yield
    }) : () -> ()
    %mul3A_59 = arith.constant 320 : i32
    %mul3A_60 = arith.muli %arg1, %mul3A_59 : i32
    %add3A_61 = arith.constant 160 : i32
    %add3A_62 = arith.addi %mul3A_60, %add3A_61 : i32
    %run_scoped3A_63 = arith.constant 1 : i32
    "tpu.region"() ({
      %run_scoped3A_84 = tpu.sem_alloc : memref<!tpu.dma_semaphore, #tpu.memory_space<semaphore_mem>>
      %dma_start3A = arith.constant 0 : i32
      %dma_start3A_85 = arith.constant 0 : i32
      %dma_start3A_86 = tpu.memref_slice %arg16[%run_scoped3A_63, %dma_start3A, %dma_start3A_85] : memref<2x80x128xf32, #tpu.memory_space<vmem>> -> memref<1x80x128xf32, #tpu.memory_space<vmem>>
      %dma_start3A_87 = tpu.memref_squeeze %dma_start3A_86 : memref<1x80x128xf32, #tpu.memory_space<vmem>> -> memref<80x128xf32, #tpu.memory_space<vmem>>
      %dma_start3A_88 = arith.constant 0 : i32
      %dma_start3A_89 = tpu.memref_slice %arg17[%add3A_62, %dma_start3A_88] : memref<5128x128xf32, #tpu.memory_space<vmem_shared>> -> memref<80x128xf32, #tpu.memory_space<vmem_shared>>
      %dma_start3A_90 = arith.constant 0 : i32
      %dma_start3A_91 = arith.constant 0 : i32
      %dma_start3A_92 = tpu.memref_slice %arg16[%run_scoped3A_63, %dma_start3A_90, %dma_start3A_91] : memref<2x80x128xf32, #tpu.memory_space<vmem>> -> memref<1x80x128xf32, #tpu.memory_space<vmem>>
      %dma_start3A_93 = tpu.memref_squeeze %dma_start3A_92 : memref<1x80x128xf32, #tpu.memory_space<vmem>> -> memref<80x128xf32, #tpu.memory_space<vmem>>
      %dma_start3A_94 = arith.constant 0 : i32
      %dma_start3A_95 = tpu.memref_slice %arg17[%add3A_62, %dma_start3A_94] : memref<5128x128xf32, #tpu.memory_space<vmem_shared>> -> memref<80x128xf32, #tpu.memory_space<vmem_shared>>
      tpu.enqueue_dma source(%dma_start3A_95 : memref<80x128xf32, #tpu.memory_space<vmem_shared>>) target(%dma_start3A_93 : memref<80x128xf32, #tpu.memory_space<vmem>>) target_semaphore(%run_scoped3A_84 : memref<!tpu.dma_semaphore, #tpu.memory_space<semaphore_mem>>)
      %dma_wait3A = arith.constant 0 : i32
      %dma_wait3A_96 = arith.constant 0 : i32
      %dma_wait3A_97 = tpu.memref_slice %arg16[%run_scoped3A_63, %dma_wait3A, %dma_wait3A_96] : memref<2x80x128xf32, #tpu.memory_space<vmem>> -> memref<1x80x128xf32, #tpu.memory_space<vmem>>
      %dma_wait3A_98 = tpu.memref_squeeze %dma_wait3A_97 : memref<1x80x128xf32, #tpu.memory_space<vmem>> -> memref<80x128xf32, #tpu.memory_space<vmem>>
      %dma_wait3A_99 = arith.constant 0 : i32
      %dma_wait3A_100 = tpu.memref_slice %arg17[%add3A_62, %dma_wait3A_99] : memref<5128x128xf32, #tpu.memory_space<vmem_shared>> -> memref<80x128xf32, #tpu.memory_space<vmem_shared>>
      %dma_wait3A_101 = arith.constant 0 : i32
      %dma_wait3A_102 = arith.constant 0 : i32
      %dma_wait3A_103 = tpu.memref_slice %arg16[%run_scoped3A_63, %dma_wait3A_101, %dma_wait3A_102] : memref<2x80x128xf32, #tpu.memory_space<vmem>> -> memref<1x80x128xf32, #tpu.memory_space<vmem>>
      %dma_wait3A_104 = tpu.memref_squeeze %dma_wait3A_103 : memref<1x80x128xf32, #tpu.memory_space<vmem>> -> memref<80x128xf32, #tpu.memory_space<vmem>>
      %dma_wait3A_105 = arith.constant 0 : i32
      %dma_wait3A_106 = tpu.memref_slice %arg17[%add3A_62, %dma_wait3A_105] : memref<5128x128xf32, #tpu.memory_space<vmem_shared>> -> memref<80x128xf32, #tpu.memory_space<vmem_shared>>
      tpu.wait_dma2 semaphore(%run_scoped3A_84 : memref<!tpu.dma_semaphore, #tpu.memory_space<semaphore_mem>>) src(%dma_wait3A_106 : memref<80x128xf32, #tpu.memory_space<vmem_shared>>) dst(%dma_wait3A_104 : memref<80x128xf32, #tpu.memory_space<vmem>>)
      tpu.yield
    }) : () -> ()
    %mul3A_64 = arith.constant 320 : i32
    %mul3A_65 = arith.muli %arg1, %mul3A_64 : i32
    %add3A_66 = arith.constant 160 : i32
    %add3A_67 = arith.addi %mul3A_65, %add3A_66 : i32
    %run_scoped3A_68 = arith.constant 1 : i32
    "tpu.region"() ({
      %run_scoped3A_84 = tpu.sem_alloc : memref<!tpu.dma_semaphore, #tpu.memory_space<semaphore_mem>>
      %dma_start3A = arith.constant 0 : i32
      %dma_start3A_85 = arith.constant 0 : i32
      %dma_start3A_86 = tpu.memref_slice %arg16[%run_scoped3A_68, %dma_start3A, %dma_start3A_85] : memref<2x80x128xf32, #tpu.memory_space<vmem>> -> memref<1x80x128xf32, #tpu.memory_space<vmem>>
      %dma_start3A_87 = tpu.memref_squeeze %dma_start3A_86 : memref<1x80x128xf32, #tpu.memory_space<vmem>> -> memref<80x128xf32, #tpu.memory_space<vmem>>
      %dma_start3A_88 = arith.constant 0 : i32
      %dma_start3A_89 = tpu.memref_slice %arg8[%arg0, %add3A_67, %dma_start3A_88] : memref<2x5120x128xf32, #tpu.memory_space<hbm>> -> memref<1x80x128xf32, #tpu.memory_space<hbm>>
      %dma_start3A_90 = tpu.memref_squeeze %dma_start3A_89 : memref<1x80x128xf32, #tpu.memory_space<hbm>> -> memref<80x128xf32, #tpu.memory_space<hbm>>
      %dma_start3A_91 = arith.constant 0 : i32
      %dma_start3A_92 = tpu.memref_slice %arg8[%arg0, %add3A_67, %dma_start3A_91] : memref<2x5120x128xf32, #tpu.memory_space<hbm>> -> memref<1x80x128xf32, #tpu.memory_space<hbm>>
      %dma_start3A_93 = tpu.memref_squeeze %dma_start3A_92 : memref<1x80x128xf32, #tpu.memory_space<hbm>> -> memref<80x128xf32, #tpu.memory_space<hbm>>
      %dma_start3A_94 = arith.constant 0 : i32
      %dma_start3A_95 = arith.constant 0 : i32
      %dma_start3A_96 = tpu.memref_slice %arg16[%run_scoped3A_68, %dma_start3A_94, %dma_start3A_95] : memref<2x80x128xf32, #tpu.memory_space<vmem>> -> memref<1x80x128xf32, #tpu.memory_space<vmem>>
      %dma_start3A_97 = tpu.memref_squeeze %dma_start3A_96 : memref<1x80x128xf32, #tpu.memory_space<vmem>> -> memref<80x128xf32, #tpu.memory_space<vmem>>
      tpu.enqueue_dma source(%dma_start3A_97 : memref<80x128xf32, #tpu.memory_space<vmem>>) target(%dma_start3A_93 : memref<80x128xf32, #tpu.memory_space<hbm>>) target_semaphore(%run_scoped3A_84 : memref<!tpu.dma_semaphore, #tpu.memory_space<semaphore_mem>>)
      %dma_wait3A = arith.constant 0 : i32
      %dma_wait3A_98 = arith.constant 0 : i32
      %dma_wait3A_99 = tpu.memref_slice %arg16[%run_scoped3A_68, %dma_wait3A, %dma_wait3A_98] : memref<2x80x128xf32, #tpu.memory_space<vmem>> -> memref<1x80x128xf32, #tpu.memory_space<vmem>>
      %dma_wait3A_100 = tpu.memref_squeeze %dma_wait3A_99 : memref<1x80x128xf32, #tpu.memory_space<vmem>> -> memref<80x128xf32, #tpu.memory_space<vmem>>
      %dma_wait3A_101 = arith.constant 0 : i32
      %dma_wait3A_102 = tpu.memref_slice %arg8[%arg0, %add3A_67, %dma_wait3A_101] : memref<2x5120x128xf32, #tpu.memory_space<hbm>> -> memref<1x80x128xf32, #tpu.memory_space<hbm>>
      %dma_wait3A_103 = tpu.memref_squeeze %dma_wait3A_102 : memref<1x80x128xf32, #tpu.memory_space<hbm>> -> memref<80x128xf32, #tpu.memory_space<hbm>>
      %dma_wait3A_104 = arith.constant 0 : i32
      %dma_wait3A_105 = tpu.memref_slice %arg8[%arg0, %add3A_67, %dma_wait3A_104] : memref<2x5120x128xf32, #tpu.memory_space<hbm>> -> memref<1x80x128xf32, #tpu.memory_space<hbm>>
      %dma_wait3A_106 = tpu.memref_squeeze %dma_wait3A_105 : memref<1x80x128xf32, #tpu.memory_space<hbm>> -> memref<80x128xf32, #tpu.memory_space<hbm>>
      %dma_wait3A_107 = arith.constant 0 : i32
      %dma_wait3A_108 = arith.constant 0 : i32
      %dma_wait3A_109 = tpu.memref_slice %arg16[%run_scoped3A_68, %dma_wait3A_107, %dma_wait3A_108] : memref<2x80x128xf32, #tpu.memory_space<vmem>> -> memref<1x80x128xf32, #tpu.memory_space<vmem>>
      %dma_wait3A_110 = tpu.memref_squeeze %dma_wait3A_109 : memref<1x80x128xf32, #tpu.memory_space<vmem>> -> memref<80x128xf32, #tpu.memory_space<vmem>>
      tpu.wait_dma2 semaphore(%run_scoped3A_84 : memref<!tpu.dma_semaphore, #tpu.memory_space<semaphore_mem>>) src(%dma_wait3A_110 : memref<80x128xf32, #tpu.memory_space<vmem>>) dst(%dma_wait3A_106 : memref<80x128xf32, #tpu.memory_space<hbm>>)
      tpu.yield
    }) : () -> ()
    %mul3A_69 = arith.constant 320 : i32
    %mul3A_70 = arith.muli %arg1, %mul3A_69 : i32
    %add3A_71 = arith.constant 240 : i32
    %add3A_72 = arith.addi %mul3A_70, %add3A_71 : i32
    %run_scoped3A_73 = arith.constant 1 : i32
    "tpu.region"() ({
      %run_scoped3A_84 = tpu.sem_alloc : memref<!tpu.dma_semaphore, #tpu.memory_space<semaphore_mem>>
      %dma_start3A = arith.constant 0 : i32
      %dma_start3A_85 = arith.constant 0 : i32
      %dma_start3A_86 = tpu.memref_slice %arg16[%run_scoped3A_73, %dma_start3A, %dma_start3A_85] : memref<2x80x128xf32, #tpu.memory_space<vmem>> -> memref<1x80x128xf32, #tpu.memory_space<vmem>>
      %dma_start3A_87 = tpu.memref_squeeze %dma_start3A_86 : memref<1x80x128xf32, #tpu.memory_space<vmem>> -> memref<80x128xf32, #tpu.memory_space<vmem>>
      %dma_start3A_88 = arith.constant 0 : i32
      %dma_start3A_89 = tpu.memref_slice %arg17[%add3A_72, %dma_start3A_88] : memref<5128x128xf32, #tpu.memory_space<vmem_shared>> -> memref<80x128xf32, #tpu.memory_space<vmem_shared>>
      %dma_start3A_90 = arith.constant 0 : i32
      %dma_start3A_91 = arith.constant 0 : i32
      %dma_start3A_92 = tpu.memref_slice %arg16[%run_scoped3A_73, %dma_start3A_90, %dma_start3A_91] : memref<2x80x128xf32, #tpu.memory_space<vmem>> -> memref<1x80x128xf32, #tpu.memory_space<vmem>>
      %dma_start3A_93 = tpu.memref_squeeze %dma_start3A_92 : memref<1x80x128xf32, #tpu.memory_space<vmem>> -> memref<80x128xf32, #tpu.memory_space<vmem>>
      %dma_start3A_94 = arith.constant 0 : i32
      %dma_start3A_95 = tpu.memref_slice %arg17[%add3A_72, %dma_start3A_94] : memref<5128x128xf32, #tpu.memory_space<vmem_shared>> -> memref<80x128xf32, #tpu.memory_space<vmem_shared>>
      tpu.enqueue_dma source(%dma_start3A_95 : memref<80x128xf32, #tpu.memory_space<vmem_shared>>) target(%dma_start3A_93 : memref<80x128xf32, #tpu.memory_space<vmem>>) target_semaphore(%run_scoped3A_84 : memref<!tpu.dma_semaphore, #tpu.memory_space<semaphore_mem>>)
      %dma_wait3A = arith.constant 0 : i32
      %dma_wait3A_96 = arith.constant 0 : i32
      %dma_wait3A_97 = tpu.memref_slice %arg16[%run_scoped3A_73, %dma_wait3A, %dma_wait3A_96] : memref<2x80x128xf32, #tpu.memory_space<vmem>> -> memref<1x80x128xf32, #tpu.memory_space<vmem>>
      %dma_wait3A_98 = tpu.memref_squeeze %dma_wait3A_97 : memref<1x80x128xf32, #tpu.memory_space<vmem>> -> memref<80x128xf32, #tpu.memory_space<vmem>>
      %dma_wait3A_99 = arith.constant 0 : i32
      %dma_wait3A_100 = tpu.memref_slice %arg17[%add3A_72, %dma_wait3A_99] : memref<5128x128xf32, #tpu.memory_space<vmem_shared>> -> memref<80x128xf32, #tpu.memory_space<vmem_shared>>
      %dma_wait3A_101 = arith.constant 0 : i32
      %dma_wait3A_102 = arith.constant 0 : i32
      %dma_wait3A_103 = tpu.memref_slice %arg16[%run_scoped3A_73, %dma_wait3A_101, %dma_wait3A_102] : memref<2x80x128xf32, #tpu.memory_space<vmem>> -> memref<1x80x128xf32, #tpu.memory_space<vmem>>
      %dma_wait3A_104 = tpu.memref_squeeze %dma_wait3A_103 : memref<1x80x128xf32, #tpu.memory_space<vmem>> -> memref<80x128xf32, #tpu.memory_space<vmem>>
      %dma_wait3A_105 = arith.constant 0 : i32
      %dma_wait3A_106 = tpu.memref_slice %arg17[%add3A_72, %dma_wait3A_105] : memref<5128x128xf32, #tpu.memory_space<vmem_shared>> -> memref<80x128xf32, #tpu.memory_space<vmem_shared>>
      tpu.wait_dma2 semaphore(%run_scoped3A_84 : memref<!tpu.dma_semaphore, #tpu.memory_space<semaphore_mem>>) src(%dma_wait3A_106 : memref<80x128xf32, #tpu.memory_space<vmem_shared>>) dst(%dma_wait3A_104 : memref<80x128xf32, #tpu.memory_space<vmem>>)
      tpu.yield
    }) : () -> ()
    %mul3A_74 = arith.constant 320 : i32
    %mul3A_75 = arith.muli %arg1, %mul3A_74 : i32
    %add3A_76 = arith.constant 240 : i32
    %add3A_77 = arith.addi %mul3A_75, %add3A_76 : i32
    %run_scoped3A_78 = arith.constant 1 : i32
    "tpu.region"() ({
      %run_scoped3A_84 = tpu.sem_alloc : memref<!tpu.dma_semaphore, #tpu.memory_space<semaphore_mem>>
      %dma_start3A = arith.constant 0 : i32
      %dma_start3A_85 = arith.constant 0 : i32
      %dma_start3A_86 = tpu.memref_slice %arg16[%run_scoped3A_78, %dma_start3A, %dma_start3A_85] : memref<2x80x128xf32, #tpu.memory_space<vmem>> -> memref<1x80x128xf32, #tpu.memory_space<vmem>>
      %dma_start3A_87 = tpu.memref_squeeze %dma_start3A_86 : memref<1x80x128xf32, #tpu.memory_space<vmem>> -> memref<80x128xf32, #tpu.memory_space<vmem>>
      %dma_start3A_88 = arith.constant 0 : i32
      %dma_start3A_89 = tpu.memref_slice %arg8[%arg0, %add3A_77, %dma_start3A_88] : memref<2x5120x128xf32, #tpu.memory_space<hbm>> -> memref<1x80x128xf32, #tpu.memory_space<hbm>>
      %dma_start3A_90 = tpu.memref_squeeze %dma_start3A_89 : memref<1x80x128xf32, #tpu.memory_space<hbm>> -> memref<80x128xf32, #tpu.memory_space<hbm>>
      %dma_start3A_91 = arith.constant 0 : i32
      %dma_start3A_92 = tpu.memref_slice %arg8[%arg0, %add3A_77, %dma_start3A_91] : memref<2x5120x128xf32, #tpu.memory_space<hbm>> -> memref<1x80x128xf32, #tpu.memory_space<hbm>>
      %dma_start3A_93 = tpu.memref_squeeze %dma_start3A_92 : memref<1x80x128xf32, #tpu.memory_space<hbm>> -> memref<80x128xf32, #tpu.memory_space<hbm>>
      %dma_start3A_94 = arith.constant 0 : i32
      %dma_start3A_95 = arith.constant 0 : i32
      %dma_start3A_96 = tpu.memref_slice %arg16[%run_scoped3A_78, %dma_start3A_94, %dma_start3A_95] : memref<2x80x128xf32, #tpu.memory_space<vmem>> -> memref<1x80x128xf32, #tpu.memory_space<vmem>>
      %dma_start3A_97 = tpu.memref_squeeze %dma_start3A_96 : memref<1x80x128xf32, #tpu.memory_space<vmem>> -> memref<80x128xf32, #tpu.memory_space<vmem>>
      tpu.enqueue_dma source(%dma_start3A_97 : memref<80x128xf32, #tpu.memory_space<vmem>>) target(%dma_start3A_93 : memref<80x128xf32, #tpu.memory_space<hbm>>) target_semaphore(%run_scoped3A_84 : memref<!tpu.dma_semaphore, #tpu.memory_space<semaphore_mem>>)
      %dma_wait3A = arith.constant 0 : i32
      %dma_wait3A_98 = arith.constant 0 : i32
      %dma_wait3A_99 = tpu.memref_slice %arg16[%run_scoped3A_78, %dma_wait3A, %dma_wait3A_98] : memref<2x80x128xf32, #tpu.memory_space<vmem>> -> memref<1x80x128xf32, #tpu.memory_space<vmem>>
      %dma_wait3A_100 = tpu.memref_squeeze %dma_wait3A_99 : memref<1x80x128xf32, #tpu.memory_space<vmem>> -> memref<80x128xf32, #tpu.memory_space<vmem>>
      %dma_wait3A_101 = arith.constant 0 : i32
      %dma_wait3A_102 = tpu.memref_slice %arg8[%arg0, %add3A_77, %dma_wait3A_101] : memref<2x5120x128xf32, #tpu.memory_space<hbm>> -> memref<1x80x128xf32, #tpu.memory_space<hbm>>
      %dma_wait3A_103 = tpu.memref_squeeze %dma_wait3A_102 : memref<1x80x128xf32, #tpu.memory_space<hbm>> -> memref<80x128xf32, #tpu.memory_space<hbm>>
      %dma_wait3A_104 = arith.constant 0 : i32
      %dma_wait3A_105 = tpu.memref_slice %arg8[%arg0, %add3A_77, %dma_wait3A_104] : memref<2x5120x128xf32, #tpu.memory_space<hbm>> -> memref<1x80x128xf32, #tpu.memory_space<hbm>>
      %dma_wait3A_106 = tpu.memref_squeeze %dma_wait3A_105 : memref<1x80x128xf32, #tpu.memory_space<hbm>> -> memref<80x128xf32, #tpu.memory_space<hbm>>
      %dma_wait3A_107 = arith.constant 0 : i32
      %dma_wait3A_108 = arith.constant 0 : i32
      %dma_wait3A_109 = tpu.memref_slice %arg16[%run_scoped3A_78, %dma_wait3A_107, %dma_wait3A_108] : memref<2x80x128xf32, #tpu.memory_space<vmem>> -> memref<1x80x128xf32, #tpu.memory_space<vmem>>
      %dma_wait3A_110 = tpu.memref_squeeze %dma_wait3A_109 : memref<1x80x128xf32, #tpu.memory_space<vmem>> -> memref<80x128xf32, #tpu.memory_space<vmem>>
      tpu.wait_dma2 semaphore(%run_scoped3A_84 : memref<!tpu.dma_semaphore, #tpu.memory_space<semaphore_mem>>) src(%dma_wait3A_110 : memref<80x128xf32, #tpu.memory_space<vmem>>) dst(%dma_wait3A_106 : memref<80x128xf32, #tpu.memory_space<hbm>>)
      tpu.yield
    }) : () -> ()
    %eq3A_79 = arith.constant 0 : i32
    %eq3A_80 = arith.cmpi eq, %arg0, %eq3A_79 : i32
    %convert_element_type3A_81 = arith.extui %eq3A_80 : i1 to i32
    %cond3A_82 = arith.constant 0 : i32
    %cond3A_83 = arith.cmpi ne, %convert_element_type3A_81, %cond3A_82 : i32
    scf.if %cond3A_83 {
      %run_scoped3A_84 = arith.constant 0 : i32
      "tpu.region"() ({
        %run_scoped3A_85 = tpu.sem_alloc : memref<!tpu.dma_semaphore, #tpu.memory_space<semaphore_mem>>
        %dma_start3A = arith.constant 0 : i32
        %dma_start3A_86 = tpu.memref_slice %arg9[%arg1, %run_scoped3A_84, %dma_start3A] : memref<16x1x10240xf32, #tpu.memory_space<hbm>> -> memref<1x1x10240xf32, #tpu.memory_space<hbm>>
        %dma_start3A_87 = tpu.memref_squeeze %dma_start3A_86 : memref<1x1x10240xf32, #tpu.memory_space<hbm>> -> memref<10240xf32, #tpu.memory_space<hbm>>
        %dma_start3A_88 = arith.constant 0 : i32
        %dma_start3A_89 = tpu.memref_slice %arg9[%arg1, %run_scoped3A_84, %dma_start3A_88] : memref<16x1x10240xf32, #tpu.memory_space<hbm>> -> memref<1x1x10240xf32, #tpu.memory_space<hbm>>
        %dma_start3A_90 = tpu.memref_squeeze %dma_start3A_89 : memref<1x1x10240xf32, #tpu.memory_space<hbm>> -> memref<10240xf32, #tpu.memory_space<hbm>>
        tpu.enqueue_dma source(%arg15 : memref<10240xf32, #tpu.memory_space<vmem>>) target(%dma_start3A_90 : memref<10240xf32, #tpu.memory_space<hbm>>) target_semaphore(%run_scoped3A_85 : memref<!tpu.dma_semaphore, #tpu.memory_space<semaphore_mem>>)
        %dma_wait3A = arith.constant 0 : i32
        %dma_wait3A_91 = tpu.memref_slice %arg9[%arg1, %run_scoped3A_84, %dma_wait3A] : memref<16x1x10240xf32, #tpu.memory_space<hbm>> -> memref<1x1x10240xf32, #tpu.memory_space<hbm>>
        %dma_wait3A_92 = tpu.memref_squeeze %dma_wait3A_91 : memref<1x1x10240xf32, #tpu.memory_space<hbm>> -> memref<10240xf32, #tpu.memory_space<hbm>>
        %dma_wait3A_93 = arith.constant 0 : i32
        %dma_wait3A_94 = tpu.memref_slice %arg9[%arg1, %run_scoped3A_84, %dma_wait3A_93] : memref<16x1x10240xf32, #tpu.memory_space<hbm>> -> memref<1x1x10240xf32, #tpu.memory_space<hbm>>
        %dma_wait3A_95 = tpu.memref_squeeze %dma_wait3A_94 : memref<1x1x10240xf32, #tpu.memory_space<hbm>> -> memref<10240xf32, #tpu.memory_space<hbm>>
        tpu.wait_dma2 semaphore(%run_scoped3A_85 : memref<!tpu.dma_semaphore, #tpu.memory_space<semaphore_mem>>) src(%arg15 : memref<10240xf32, #tpu.memory_space<vmem>>) dst(%dma_wait3A_95 : memref<10240xf32, #tpu.memory_space<hbm>>)
        tpu.yield
      }) : () -> ()
    } else {
    }
    return
  }
}

module attributes {stable_mosaic.version = 14 : i64} {
  func.func @_mm_body(%arg0: i32, %arg1: i32, %arg2: memref<16x1xf32, #tpu.memory_space<smem>>, %arg3: memref<16x4xf32, #tpu.memory_space<smem>>, %arg4: memref<1000x128xf32, #tpu.memory_space<vmem>>, %arg5: memref<4x128x128xf32, #tpu.memory_space<vmem>>, %arg6: memref<128x128xf32, #tpu.memory_space<vmem>>, %arg7: memref<1x1000x128xf32, #tpu.memory_space<vmem>>, %arg8: memref<1000x128xf32, #tpu.memory_space<vmem>>) attributes {dimension_semantics = [#tpu.dimension_semantics<arbitrary>, #tpu.dimension_semantics<arbitrary>], iteration_bounds = array<i64: 10, 17>, scalar_prefetch = 0 : i64, scratch_operands = 0 : i64, tpu.core_type = #tpu.core_type<tc>, window_params = [{transform_indices = @transform_0, window_bounds = array<i64: 16, 1>}, {transform_indices = @transform_1, window_bounds = array<i64: 16, 4>}, {transform_indices = @transform_2, window_bounds = array<i64: 1000, 128>}, {pipeline_mode = #tpu.pipeline_mode<synchronous>, transform_indices = @transform_3, window_bounds = array<i64: 4, 128, 128>}, {pipeline_mode = #tpu.pipeline_mode<synchronous>, transform_indices = @transform_4, window_bounds = array<i64: 128, 128>}, {transform_indices = @transform_5, window_bounds = array<i64: 1, 1000, 128>}, {transform_indices = @transform_6, window_bounds = array<i64: 1000, 128>}]} {
    %get3A = arith.constant 0 : index
    %get3A_0 = arith.constant 0 : index
    %get3A_1 = vector.load %arg4[%get3A, %get3A_0] : memref<1000x128xf32, #tpu.memory_space<vmem>>, vector<1000x128xf32>
    %lt3A = arith.constant 16 : i32
    %lt3A_2 = arith.cmpi slt, %arg1, %lt3A : i32
    %convert_element_type3A = arith.extui %lt3A_2 : i1 to i32
    %cond3A = arith.constant 0 : i32
    %cond3A_3 = arith.cmpi ne, %convert_element_type3A, %cond3A : i32
    scf.if %cond3A_3 {
      %get3A_8 = arith.index_cast %arg1 : i32 to index
      %get3A_9 = arith.constant 0 : index
      %get3A_10 = memref.load %arg3[%get3A_8, %get3A_9] : memref<16x4xf32, #tpu.memory_space<smem>>
      %get3A_11 = arith.constant 0 : index
      %get3A_12 = arith.constant 0 : index
      %get3A_13 = arith.constant 0 : index
      %get3A_14 = vector.load %arg5[%get3A_11, %get3A_12, %get3A_13] : memref<4x128x128xf32, #tpu.memory_space<vmem>>, vector<1x128x128xf32>
      %get3A_15 = vector.shape_cast %get3A_14 : vector<1x128x128xf32> to vector<128x128xf32>
      %mul3A = vector.broadcast %get3A_10 : f32 to vector<128x128xf32>
      %mul3A_16 = arith.mulf %mul3A, %get3A_15 : vector<128x128xf32>
      %get3A_17 = arith.index_cast %arg1 : i32 to index
      %get3A_18 = arith.constant 1 : index
      %get3A_19 = memref.load %arg3[%get3A_17, %get3A_18] : memref<16x4xf32, #tpu.memory_space<smem>>
      %get3A_20 = arith.constant 1 : index
      %get3A_21 = arith.constant 0 : index
      %get3A_22 = arith.constant 0 : index
      %get3A_23 = vector.load %arg5[%get3A_20, %get3A_21, %get3A_22] : memref<4x128x128xf32, #tpu.memory_space<vmem>>, vector<1x128x128xf32>
      %get3A_24 = vector.shape_cast %get3A_23 : vector<1x128x128xf32> to vector<128x128xf32>
      %mul3A_25 = vector.broadcast %get3A_19 : f32 to vector<128x128xf32>
      %mul3A_26 = arith.mulf %mul3A_25, %get3A_24 : vector<128x128xf32>
      %add3A = arith.addf %mul3A_16, %mul3A_26 : vector<128x128xf32>
      %get3A_27 = arith.index_cast %arg1 : i32 to index
      %get3A_28 = arith.constant 2 : index
      %get3A_29 = memref.load %arg3[%get3A_27, %get3A_28] : memref<16x4xf32, #tpu.memory_space<smem>>
      %get3A_30 = arith.constant 2 : index
      %get3A_31 = arith.constant 0 : index
      %get3A_32 = arith.constant 0 : index
      %get3A_33 = vector.load %arg5[%get3A_30, %get3A_31, %get3A_32] : memref<4x128x128xf32, #tpu.memory_space<vmem>>, vector<1x128x128xf32>
      %get3A_34 = vector.shape_cast %get3A_33 : vector<1x128x128xf32> to vector<128x128xf32>
      %mul3A_35 = vector.broadcast %get3A_29 : f32 to vector<128x128xf32>
      %mul3A_36 = arith.mulf %mul3A_35, %get3A_34 : vector<128x128xf32>
      %add3A_37 = arith.addf %add3A, %mul3A_36 : vector<128x128xf32>
      %get3A_38 = arith.index_cast %arg1 : i32 to index
      %get3A_39 = arith.constant 3 : index
      %get3A_40 = memref.load %arg3[%get3A_38, %get3A_39] : memref<16x4xf32, #tpu.memory_space<smem>>
      %get3A_41 = arith.constant 3 : index
      %get3A_42 = arith.constant 0 : index
      %get3A_43 = arith.constant 0 : index
      %get3A_44 = vector.load %arg5[%get3A_41, %get3A_42, %get3A_43] : memref<4x128x128xf32, #tpu.memory_space<vmem>>, vector<1x128x128xf32>
      %get3A_45 = vector.shape_cast %get3A_44 : vector<1x128x128xf32> to vector<128x128xf32>
      %mul3A_46 = vector.broadcast %get3A_40 : f32 to vector<128x128xf32>
      %mul3A_47 = arith.mulf %mul3A_46, %get3A_45 : vector<128x128xf32>
      %add3A_48 = arith.addf %add3A_37, %mul3A_47 : vector<128x128xf32>
      %get3A_49 = arith.index_cast %arg1 : i32 to index
      %get3A_50 = arith.constant 0 : index
      %get3A_51 = memref.load %arg2[%get3A_49, %get3A_50] : memref<16x1xf32, #tpu.memory_space<smem>>
      %dot_general3A = arith.constant dense<0.000000e+00> : vector<1000x128xf32>
      %dot_general3A_52 = tpu.matmul %get3A_1, %add3A_48, %dot_general3A {dimension_numbers = #tpu.dot_dimension_numbers<[1], [0], [0], [1], [0, 0, 1, 1], [], []>, transpose_lhs_hint = false} : vector<1000x128xf32>, vector<128x128xf32>, vector<1000x128xf32> -> vector<1000x128xf32>
      %mul3A_53 = vector.broadcast %get3A_51 : f32 to vector<1000x128xf32>
      %mul3A_54 = arith.mulf %mul3A_53, %dot_general3A_52 : vector<1000x128xf32>
      %swap3A = arith.constant 0 : index
      %swap3A_55 = arith.constant 0 : index
      %swap3A_56 = arith.constant 0 : index
      %swap3A_57 = vector.load %arg7[%swap3A, %swap3A_55, %swap3A_56] : memref<1x1000x128xf32, #tpu.memory_space<vmem>>, vector<1x1000x128xf32>
      %swap3A_58 = vector.shape_cast %swap3A_57 : vector<1x1000x128xf32> to vector<1000x128xf32>
      %swap3A_59 = vector.shape_cast %mul3A_54 : vector<1000x128xf32> to vector<1x1000x128xf32>
      tpu.vector_store %arg7[%swap3A, %swap3A_55, %swap3A_56], %swap3A_59 {strides = array<i32>} : memref<1x1000x128xf32, #tpu.memory_space<vmem>>, vector<1x1000x128xf32>,
    } else {
    }
    %eq3A = arith.constant 16 : i32
    %eq3A_4 = arith.cmpi eq, %arg1, %eq3A : i32
    %convert_element_type3A_5 = arith.extui %eq3A_4 : i1 to i32
    %cond3A_6 = arith.constant 0 : i32
    %cond3A_7 = arith.cmpi ne, %convert_element_type3A_5, %cond3A_6 : i32
    scf.if %cond3A_7 {
      %get3A_8 = arith.constant 0 : index
      %get3A_9 = arith.constant 0 : index
      %get3A_10 = vector.load %arg6[%get3A_8, %get3A_9] : memref<128x128xf32, #tpu.memory_space<vmem>>, vector<128x128xf32>
      %dot_general3A = arith.constant dense<0.000000e+00> : vector<1000x128xf32>
      %dot_general3A_11 = tpu.matmul %get3A_1, %get3A_10, %dot_general3A {dimension_numbers = #tpu.dot_dimension_numbers<[1], [0], [0], [1], [0, 0, 1, 1], [], []>, transpose_lhs_hint = false} : vector<1000x128xf32>, vector<128x128xf32>, vector<1000x128xf32> -> vector<1000x128xf32>
      %swap3A = arith.constant 0 : index
      %swap3A_12 = arith.constant 0 : index
      %swap3A_13 = vector.load %arg8[%swap3A, %swap3A_12] : memref<1000x128xf32, #tpu.memory_space<vmem>>, vector<1000x128xf32>
      tpu.vector_store %arg8[%swap3A, %swap3A_12], %dot_general3A_11 {strides = array<i32>} : memref<1000x128xf32, #tpu.memory_space<vmem>>, vector<1000x128xf32>,
    } else {
    }
    return
  }
  func.func @transform_0(%arg0: i32, %arg1: i32) -> (i32, i32) {
    %c0_i32 = arith.constant 0 : i32
    %c0_i32_0 = arith.constant 0 : i32
    %c0_i32_1 = arith.constant 0 : i32
    return %c0_i32, %c0_i32_0 : i32, i32
  }
  func.func @transform_1(%arg0: i32, %arg1: i32) -> (i32, i32) {
    %c0_i32 = arith.constant 0 : i32
    %c0_i32_0 = arith.constant 0 : i32
    %c0_i32_1 = arith.constant 0 : i32
    return %c0_i32, %c0_i32_0 : i32, i32
  }
  func.func @transform_2(%arg0: i32, %arg1: i32) -> (i32, i32) {
    %c0_i32 = arith.constant 0 : i32
    %c0_i32_0 = arith.constant 0 : i32
    return %arg0, %c0_i32 : i32, i32
  }
  func.func @transform_3(%arg0: i32, %arg1: i32) -> (i32, i32, i32) {
    %c0_i32 = arith.constant 0 : i32
    %c0_i32_0 = arith.constant 0 : i32
    %c0_i32_1 = arith.constant 0 : i32
    %c0_i32_2 = arith.constant 0 : i32
    return %c0_i32, %c0_i32_0, %c0_i32_1 : i32, i32, i32
  }
  func.func @transform_4(%arg0: i32, %arg1: i32) -> (i32, i32) {
    %c0_i32 = arith.constant 0 : i32
    %c0_i32_0 = arith.constant 0 : i32
    %c0_i32_1 = arith.constant 0 : i32
    return %c0_i32, %c0_i32_0 : i32, i32
  }
  func.func @transform_5(%arg0: i32, %arg1: i32) -> (i32, i32, i32) {
    %min3A = arith.constant 15 : i32
    %min3A_0 = arith.minsi %arg1, %min3A : i32
    %c0_i32 = arith.constant 0 : i32
    %c0_i32_1 = arith.constant 0 : i32
    return %min3A_0, %arg0, %c0_i32 : i32, i32, i32
  }
  func.func @transform_6(%arg0: i32, %arg1: i32) -> (i32, i32) {
    %c0_i32 = arith.constant 0 : i32
    %c0_i32_0 = arith.constant 0 : i32
    return %arg0, %c0_i32 : i32, i32
  }
}

module attributes {stable_mosaic.version = 14 : i64} {
  func.func @_combine_body(%arg0: i32, %arg1: memref<512x128xf32, #tpu.memory_space<vmem>>, %arg2: memref<16x10240xf32, #tpu.memory_space<vmem>>, %arg3: memref<512x128xf32, #tpu.memory_space<vmem>>, %arg4: memref<512x128xf32, #tpu.memory_space<vmem>>) attributes {dimension_semantics = [#tpu.dimension_semantics<arbitrary>], iteration_bounds = array<i64: 20>, scalar_prefetch = 0 : i64, scratch_operands = 0 : i64, tpu.core_type = #tpu.core_type<tc>, window_params = [{transform_indices = @transform_0, window_bounds = array<i64: 512, 128>}, {pipeline_mode = #tpu.pipeline_mode<synchronous>, transform_indices = @transform_1, window_bounds = array<i64: 16, 10240>}, {transform_indices = @transform_2, window_bounds = array<i64: 512, 128>}, {transform_indices = @transform_3, window_bounds = array<i64: 512, 128>}]} {
    %mul3A = arith.constant 512 : i32
    %mul3A_0 = arith.muli %arg0, %mul3A : i32
    %get3A = arith.constant 0 : index
    %get3A_1 = arith.index_cast %mul3A_0 : i32 to index
    %get3A_2 = vector.load %arg2[%get3A, %get3A_1] : memref<16x10240xf32, #tpu.memory_space<vmem>>, vector<16x512xf32>
    %reduce_sum3A = arith.constant dense<0.000000e+00> : vector<512xf32>
    %reduce_sum3A_3 = vector.multi_reduction <add>, %get3A_2, %reduce_sum3A [0] : vector<16x512xf32> to vector<512xf32>
    %get3A_4 = arith.constant 0 : index
    %get3A_5 = arith.constant 0 : index
    %get3A_6 = vector.load %arg1[%get3A_4, %get3A_5] : memref<512x128xf32, #tpu.memory_space<vmem>>, vector<512x128xf32>
    %broadcast_in_dim3A = vector.shape_cast %reduce_sum3A_3 : vector<512xf32> to vector<512x1xf32>
    %get3A_7 = arith.constant 0 : index
    %get3A_8 = arith.constant 0 : index
    %get3A_9 = vector.load %arg3[%get3A_7, %get3A_8] : memref<512x128xf32, #tpu.memory_space<vmem>>, vector<512x128xf32>
    %mul3A_10 = vector.broadcast %broadcast_in_dim3A : vector<512x1xf32> to vector<512x128xf32>
    %mul3A_11 = arith.mulf %mul3A_10, %get3A_9 : vector<512x128xf32>
    %add3A = arith.addf %get3A_6, %mul3A_11 : vector<512x128xf32>
    %max3A = arith.constant 0.000000e+00 : f32
    %max3A_12 = vector.broadcast %max3A : f32 to vector<512x128xf32>
    %max3A_13 = arith.maximumf %add3A, %max3A_12 : vector<512x128xf32>
    %swap3A = arith.constant 0 : index
    %swap3A_14 = arith.constant 0 : index
    %swap3A_15 = vector.load %arg4[%swap3A, %swap3A_14] : memref<512x128xf32, #tpu.memory_space<vmem>>, vector<512x128xf32>
    tpu.vector_store %arg4[%swap3A, %swap3A_14], %max3A_13 {strides = array<i32>} : memref<512x128xf32, #tpu.memory_space<vmem>>, vector<512x128xf32>,
    return
  }
  func.func @transform_0(%arg0: i32) -> (i32, i32) {
    %c0_i32 = arith.constant 0 : i32
    %c0_i32_0 = arith.constant 0 : i32
    return %arg0, %c0_i32 : i32, i32
  }
  func.func @transform_1(%arg0: i32) -> (i32, i32) {
    %c0_i32 = arith.constant 0 : i32
    %c0_i32_0 = arith.constant 0 : i32
    %c0_i32_1 = arith.constant 0 : i32
    return %c0_i32, %c0_i32_0 : i32, i32
  }
  func.func @transform_2(%arg0: i32) -> (i32, i32) {
    %c0_i32 = arith.constant 0 : i32
    %c0_i32_0 = arith.constant 0 : i32
    return %arg0, %c0_i32 : i32, i32
  }
  func.func @transform_3(%arg0: i32) -> (i32, i32) {
    %c0_i32 = arith.constant 0 : i32
    %c0_i32_0 = arith.constant 0 : i32
    return %arg0, %c0_i32 : i32, i32
  }
}

</mosaic_0001>

<sc_bundles>
// kernel: kernel.5.cloned.1.call-start
scs
__scs_entry_jumppad:
0x0: {  	(pc) =	sbr.rel $0x88, $3  }
0x1: {  	(tag) =	ssettag $0x0;
	lr =	simm.s32 $0x1  }
0x2: {  	[smem:$0x3F95] =	sst lr;
	_ =	strace $0xD0000000  }
0x3: {  	_ = 	snop  }
0x4: {  	_ = 	snop  }
0x5: {  	_ = 	snop  }
0x6: {  	_ = 	snop  }
0x7: {  	_ = 	snop  }
__scs_overlays_trampoline_lowered:
0x8: {  	[smem:$0x3FA4] =	sst s0  }
0x9: {  	[smem:$0x3FA5] =	sst s1  }
0xa: {  	[smem:$0x3FA6] =	sst s2  }
0xb: {  	[smem:$0x3FA7] =	sst s3  }
0xc: {  	[smem:$0x3FA8] =	sst s4  }
0xd: {  	[smem:$0x3FA9] =	sst s5  }
0xe: {  	[smem:$0x3FAA] =	sst s6  }
0xf: {  	[smem:$0x3FAB] =	sst s7  }
0x10: {  	[smem:$0x3FAC] =	sst s8  }
0x11: {  	[smem:$0x3FAD] =	sst s9;
	s0 =	simm.s32 @!p0 $0x0  }
0x12: {  	s1 =	sld [smem:$0x3F93];
	s0 =	simm.s32 @p0 $0x1  }
0x13: {  	[smem:$0x3FAE] =	sst s0;
	s0 =	simm.s32 @!p1 $0x0  }
0x14: {  	s2 =	sld [smem:$0x3F92];
	s0 =	simm.s32 @p1 $0x1  }
0x15: {  	[smem:$0x3FAF] =	sst s0;
	s0 =	simm.s32 @!p2 $0x0  }
0x16: {  	s3 =	sld [smem:$0x3FDB];
	s0 =	simm.s32 @p2 $0x1  }
0x17: {  	s4 =	simm.s32 $0x1BF5;
	[smem:$0x3FB1] =	sst s0  }
0x18: {  	s0 =	sld [smem:$0x3F94];
	_ =	swait.ge [sflag:s4], $0x0  }
0x19: {  	s7 =	sld [smem:$0x3F95]  }
0x1a: {  	s8 =	sadd.s32 $0xFFFFE003, lr  }
0x1b: {  	s9 =	sadd.s32 $0xFFFFFEF7, lr;
	s5 =	simm.s32 $0xFFFFFFFF;
	p2 =	slt.u32 s8, $0xFFFFF086  }
0x1c: {  	p1 =	slt.u32 s9, $0xF7A;
	s5 =	simm.s32 @!p2 $0x0  }
0x1d: {  	s5 =	simm.s32 @p1 $0x1;
	p0 =	seq.s32 s7, s2  }
0x1e: {  	s7 =	smul.u32 @!p0 $0xF7A, s2;
	p2 =	seq.s32 @!p0 s5, $0x0  }
0x1f: {  	s9 =	smul.u32 $0xF7A, s1;
	s8 =	simm.s32 @!p0 $0x1BF5;
	p2 =	por !p2, p0  }
0x20: {  	[sflag:s8] =	ssyncset.s32 @!p0 $0xFFFFF086;
	s6 =	sadd.s32 @!p0 s3, s7;
	s7 =	simm.s32 @!p0 $0x108  }
0x21: {  	s3 =	sadd.s32 s3, s9;
	s6 =	sadd.s32 @!p0 $0x88, s6;
	s7 =	simm.s32 @p2 $0x1082  }
0x22: {  	[simem:s7], [sflag:s8] =	dma.local @!p0 [hbm:s6], $0xF7A  }
0x23: {  	s9 =	sor.u32 $0xD0000000, s2;
	s6 =	simm.s32 $0x108;
	_ =	swait.ge @!p0 [sflag:s8], $0x0  }
0x24: {  	s3 =	sadd.s32 $0x88, s3;
	s6 =	simm.s32 @!p1 $0x1082;
	[sflag:s4] =	ssyncset.s32 $0xFFFFF086  }
0x25: {  	[simem:s6], [sflag:s4] =	dma.local [hbm:s3], $0xF7A  }
0x26: {  	[smem:$0x3F95] =	sst s1;
	(tag) =	ssettag s2;
	_ =	strace s9  }
0x27: {  	s1 =	sld [smem:$0x3FA5]  }
0x28: {  	s2 =	sld [smem:$0x3FA6]  }
0x29: {  	s4 =	sld [smem:$0x3FA8]  }
0x2a: {  	p0 =	seq.s32 s5, $0x0;
	s5 =	sld [smem:$0x3FA9]  }
0x2b: {  	s6 =	sld [smem:$0x3FAA]  }
0x2c: {  	s7 =	sld [smem:$0x3FAB]  }
0x2d: {  	s3 =	simm.s32 $0x108;
	s8 =	sld [smem:$0x3FAC]  }
0x2e: {  	s3 =	simm.s32 @!p0 $0x1082;
	s9 =	sld [smem:$0x3FAD]  }
0x2f: {  	lr =	sadd.s32 s0, s3;
	s0 =	sld [smem:$0x3FA4]  }
0x30: {  	s3 =	sld [smem:$0x3FA7]  }
0x31: {  	[smem:$0x3FB0] =	sst s10  }
0x32: {  	s10 =	sld [smem:$0x3FAE];
	_ =	sdelay $0x3  }
0x33: {  	p0 =	seq.s32 s10, $0x1;
	s10 =	sld [smem:$0x3FB0];
	_ =	sdelay $0x3  }
0x34: {  	[smem:$0x3FB0] =	sst s10  }
0x35: {  	s10 =	sld [smem:$0x3FAF];
	_ =	sdelay $0x3  }
0x36: {  	p1 =	seq.s32 s10, $0x1;
	s10 =	sld [smem:$0x3FB0];
	_ =	sdelay $0x3  }
0x37: {  	[smem:$0x3FB0] =	sst s10  }
0x38: {  	s10 =	sld [smem:$0x3FB1]  }
0x39: {  	_ = 	snop;
	(pc) =	sbr.ind lr, $3  }
0x3a: {  	_ = 	snop  }
0x3b: {  	_ = 	snop  }
0x3c: {  	p2 =	seq.s32 s10, $0x1;
	s10 =	sld [smem:$0x3FB0]  }
0x3d: {  	_ =	shalt  }
0x3e: {  	_ =	shalt  }
0x3f: {  	_ =	shalt  }
0x40: {  	_ =	shalt  }
0x41: {  	_ =	shalt  }
0x42: {  	_ =	shalt  }
0x43: {  	_ =	shalt  }
0x44: {  	_ =	shalt  }
0x45: {  	_ =	shalt  }
0x46: {  	_ =	shalt  }
0x47: {  	_ =	shalt  }
0x48: {  	_ =	shalt  }
0x49: {  	_ =	shalt  }
0x4a: {  	_ =	shalt  }
0x4b: {  	_ =	shalt  }
0x4c: {  	_ =	shalt  }
0x4d: {  	_ =	shalt  }
0x4e: {  	_ =	shalt  }
0x4f: {  	_ =	shalt  }
0x50: {  	_ =	shalt  }
0x51: {  	_ =	shalt  }
0x52: {  	_ =	shalt  }
0x53: {  	_ =	shalt  }
0x54: {  	_ =	shalt  }
0x55: {  	_ =	shalt  }
0x56: {  	_ =	shalt  }
0x57: {  	_ =	shalt  }
0x58: {  	_ =	shalt  }
0x59: {  	_ =	shalt  }
0x5a: {  	_ =	shalt  }
0x5b: {  	_ =	shalt  }
0x5c: {  	_ =	shalt  }
0x5d: {  	_ =	shalt  }
0x5e: {  	_ =	shalt  }
0x5f: {  	_ =	shalt  }
0x60: {  	_ =	shalt  }
0x61: {  	_ =	shalt  }
0x62: {  	_ =	shalt  }
0x63: {  	_ =	shalt  }
0x64: {  	_ =	shalt  }
0x65: {  	_ =	shalt  }
0x66: {  	_ =	shalt  }
0x67: {  	_ =	shalt  }
0x68: {  	_ =	shalt  }
0x69: {  	_ =	shalt  }
0x6a: {  	_ =	shalt  }
0x6b: {  	_ =	shalt  }
0x6c: {  	_ =	shalt  }
0x6d: {  	_ =	shalt  }
0x6e: {  	_ =	shalt  }
0x6f: {  	_ =	shalt  }
0x70: {  	_ =	shalt  }
0x71: {  	_ =	shalt  }
0x72: {  	_ =	shalt  }
0x73: {  	_ =	shalt  }
0x74: {  	_ =	shalt  }
0x75: {  	_ =	shalt  }
0x76: {  	_ =	shalt  }
0x77: {  	_ =	shalt  }
0x78: {  	_ =	shalt  }
0x79: {  	_ =	shalt  }
0x7a: {  	_ =	shalt  }
0x7b: {  	_ =	shalt  }
0x7c: {  	_ =	shalt  }
0x7d: {  	_ =	shalt  }
0x7e: {  	_ =	shalt  }
0x7f: {  	_ =	shalt  }
0x80: {  	_ =	shalt  }
0x81: {  	_ =	shalt  }
0x82: {  	_ =	shalt  }
0x83: {  	_ =	shalt  }
0x84: {  	_ =	shalt  }
0x85: {  	_ =	shalt  }
0x86: {  	_ =	shalt  }
0x87: {  	_ =	shalt  }
.Lfunc_end0:
.L_simem_size_0:
called_computation_lowered:
.L_overlay_start_0:
0x88: {  	s2 =	sld [smem:$0x3FD9]  }
0x89: {  	s3 =	sld [smem:$0x3FFE];
	_ =	sdelay $0x1  }
0x8a: {  	s1 =	srdreg.scid  }
0x8b: {  	s0 =	sand.u32 $0x1, s1  }
0x8c: {  	s17 =	sshll.u32 s0, $0xA;
	s2 =	sadd.s32 s3, s2  }
0x8d: {  	s2 =	sadd.s32 s2, s17  }
0x8e: {  	[smem:$0x3FBC] =	sst s2  }
0x8f: {  	_ = 	snop  }
0x90: {  	s2 =	sld [smem:$0x3FC7]  }
0x91: {  	s18 =	sld [smem:$0x3FD0];
	(tm) =	ssettm $0x1  }
0x92: {  	s4 =	sld [smem:$0x3FFB];
	_ =	sdelay $0x3  }
0x93: {  	_ =	strace s4  }
0x94: {  	s4 =	sld [smem:$0x3FFC];
	_ =	sdelay $0x3  }
0x95: {  	_ =	strace s4  }
0x96: {  	s4 =	sld [smem:$0x3FFD];
	_ =	sdelay $0x3  }
0x97: {  	_ =	strace s4  }
0x98: {  	_ =	strace $0x8FFFFFFF  }
0x99: {  	s19 =	sld [smem:$0x3FDB];
	_ =	sdelay $0x1  }
0x9a: {  	s5 =	simm.s32 $_scs_section_size  }
0x9b: {  	s6 =	simm.s32 $_size__tile_overlayer_lowered;
	s7 =	simm.s32 $_tile_overlayer_lowered  }
0x9c: {  	s22 =	simm.s32 $0x1BFF;
	s21 =	sshll.u32 s7, $0x1;
	s4 =	sadd.s32 s5, s19  }
0x9d: {  	s8 =	simm.s32 $0x0;
	s20 =	sshll.u32 s6, $0x1;
	s6 =	sadd.s32 s21, s4  }
0x9e: {  	[timem:s8], [sflag:s22] =	dma.local [hbm:s6], s20  }
0x9f: {  	_ =	swait.ge [sflag:s22], s20  }
0xa0: {  	s5 =	ssub.s32 $0x0, s20;
	[sflag:s22] =	ssyncset.done $0x0  }
0xa1: {  	[sflag:s22] =	ssyncadd.s32 s5;
	_ =	sdelay $0x1  }
0xa2: {  	s23 =	simm.s32 $0x1B8B  }
0xa3: {  	_ =	swait.ge [sflag:s23], $0x1  }
0xa4: {  	[sflag:s23] =	ssyncset.done $0x0  }
0xa5: {  	s25 =	simm.s32 $0x1B8E;
	s24 =	sld [smem:$0x3FFE];
	[sflag:s23] =	ssyncadd.s32 $0xFFFFFFFF  }
0xa6: {  	s26 =	simm.s32 $execute0_lowered;
	[smem:$0x3FD2] =	sst s25  }
0xa7: {  	s6 =	sshll.u32 s26, $0x1;
	_ =	strace $0x80000046;
	[dreg:$0x1] =	wrdreg $0xFFFFFFFF  }
0xa8: {  	s28 =	simm.s32 $_size_execute0_lowered;
	s4 =	sadd.s32 s4, s6;
	[dreg:$0x0] =	wrdreg $0x0  }
0xa9: {  	s6 =	sshll.u32 s28, $0x1;
	[dreg:$0x2] =	wrdreg s4  }
0xaa: {  	[dreg:$0x3] =	wrdreg s6  }
0xab: {  	[dreg:$0x4] =	wrdreg $0xC0  }
0xac: {  	_ =	task [dreg:s8], $0x5FFFF  }
0xad: {  	[dreg:$0x1] =	wrdreg $0xFFFFFFFF  }
0xae: {  	[dreg:$0x0] =	wrdreg $0x60  }
0xaf: {  	[dreg:$0x2] =	wrdreg s24  }
0xb0: {  	[dreg:$0x3] =	wrdreg s2  }
0xb1: {  	[dreg:$0x4] =	wrdreg s18  }
0xb2: {  	[dreg:$0x5] =	wrdreg $0xD4000  }
0xb3: {  	[dreg:$0x6] =	wrdreg $0x9  }
0xb4: {  	_ =	task.clear_ibuf [dreg:s8], $0x7FFFF;
	_ =	strace $0x90000046  }
0xb5: {  	s29 =	simm.s32 $0x9;
	_ =	strace $0x80000048  }
0xb6: {  	_ =	swait.ge [sflag:s29], $0x1  }
0xb7: {  	[sflag:s29] =	ssyncadd.s32 $0xFFFFFFFF  }
0xb8: {  	_ =	strace $0x90000048  }
0xb9: {  	_ =	sfence  }
0xba: {  	s30 =	sld [smem:$0x0];
	_ =	sdelay $0x2  }
0xbb: {  	s31 =	sshll.u32 s1, $0xD;
	s1 =	sshrl.u32 s1, $0x2  }
0xbc: {  	s3 =	sand.u32 $0x4000, s31;
	s1 =	sadd.s32 s1, s30  }
0xbd: {  	s0 =	sor.u32 s3, s0;
	s1 =	sshll.u32 s1, $0x11  }
0xbe: {  	s0 =	sor.u32 s1, s0  }
0xbf: {  	s0 =	sadd.s32 $0x8F2B, s0  }
0xc0: {  	[sflag:s0] =	ssyncadd.remote.s32 $0x1  }
0xc1: {  	_ =	sfence.sel $0xFFFF  }
0xc2: {  	[dreg:$0x0] =	wrdreg $0xFFFFFFFF;
	(pc) =	sbr.abs _section_cstart, $3  }
0xc3: {  	[dreg:$0x1] =	wrdreg $0xFFFFFFFF  }
0xc4: {  	_ =	task.clear_ibuf [dreg:s8], $0x2FFFF;
	_ =	strace $0x9FFFFFFF  }
0xc5: {  	(tm) =	ssettm $0x7FFFFFFF  }
tec
execute0_lowered:
.L_overlay_start_1:
0x0: {  	(tag) =	ssettag $0x1  }
0x1: {  	s0 =	rddreg [dreg:$0x0]  }
0x2: {  	s1 =	rddreg [dreg:$0x1]  }
0x3: {  	s2 =	rddreg [dreg:$0x2]  }
0x4: {  	s3 =	rddreg [dreg:$0x3];
	s4 =	simm.s32 $0x0  }
0x5: {  	s7 =	stileid.u32;
	s8 =	srdreg.scid;
	s22 =	simm.s32 $0x3  }
0x6: {  	s28 =	simm.s32 $0x2;
	s29 =	simm.s32 $0x0;
	[smem:$0x7FF] =	sst s4  }
0x7: {  	s5 =	sadd.s32 $0xB200, s0;
	s9 =	smul.u32 $0x500, s7;
	s10 =	sadd.s32 $0x27C200, s0  }
0x8: {  	s6 =	sadd.s32 $0x1400, s0;
	s11 =	smul.u32 $0x28000, s7;
	s12 =	sadd.s32 $0x27C800, s0  }
0x9: {  	s8 =	sand.u32 $0x1, s8;
	s13 =	smul.u32 $0xA000, s7;
	s18 =	sadd.s32 $0x281E00, s0  }
0xa: {  	s26 =	sadd.s32 $0xA0000, s3;
	_ =	strace $0x80000047;
	[dreg:$0x5] =	wrdreg s10  }
0xb: {  	p0 =	sne.s32 s7, $0x0;
	[dreg:$0x6] =	wrdreg s12;
	s17 =	smul.u32 $0xA0000, s8  }
0xc: {  	s23 =	ssub.s32 $0x2, s8;
	[dreg:$0x7] =	wrdreg s26;
	s26 =	smul.u32 $0xFFFFEC00, s8  }
0xd: {  	p1 =	sne.s32 s8, $0x0;
	s24 =	sshrl.u32 s23, $0x1;
	s0 =	sadd.s32 s9, s0  }
0xe: {  	s25 =	sshrl.u32 s11, $0x2;
	s16 =	sadd.s32 $0x2800, s13;
	s9 =	smul.u32 $0x4E20, s7  }
0xf: {  	s19 =	sadd.s32 $0x5000, s13;
	s21 =	sadd.s32 $0x7800, s13;
	s20 =	ssub.s32 s23, s24  }
0x10: {  	s10 =	sadd.s32 s25, s3;
	s11 =	sadd.s32 s16, s3;
	s14 =	sadd.s32 s13, s17  }
0x11: {  	s12 =	sadd.s32 s19, s3;
	s13 =	sadd.s32 s21, s3;
	s16 =	sadd.s32 s17, s16  }
0x12: {  	s19 =	sadd.s32 s17, s19;
	s17 =	sadd.s32 s17, s21;
	s23 =	simm.s32 $0xAC00  }
0x13: {  	s24 =	simm.s32 $0x50;
	s25 =	simm.s32 $0x8400;
	v0 =	vmov s26;
	s26 =	simm.s32 $0x1  }
0x14: {  	s15 =	sshrl.u32 s14, $0x3;
	s16 =	sshrl.u32 s16, $0x3;
	s19 =	sshrl.u32 s19, $0x3  }
0x15: {  	s21 =	sshrl.u32 s17, $0x3;
	s20 =	smax.u32 s20, $0x1;
	s30 =	sadd.s32 s18, s15  }
0x16: {  	s31 =	sadd.s32 s18, s16;
	s17 =	sadd.s32 s18, s19;
	[dreg:$0x8] =	wrdreg s30  }
0x17: {  	s18 =	sadd.s32 s18, s21;
	s19 =	sadd.s32 $0x27CE00, s0;
	[dreg:$0x9] =	wrdreg s31  }
.LBB2_1:
0x18: {  	s0 =	rddreg [dreg:$0x6];
	s7 =	simm.s32 $0x5C00  }
0x19: {  	[tilespmem:s7], [sflag:$0x3] =	stream.linear.gather [hbm4b:s0+s4], $0x2800, $0x38;
	[tilespmem:$0x17440] =	vst v63  }
0x1a: {  	_ =	swait.ge [sflag:s22], $0x2800  }
0x1b: {  	[sflag:s22] =	ssyncset.done $0x0  }
0x1c: {  	s31 =	rddreg [dreg:$0x5];
	[sflag:s22] =	ssyncadd.s32 $0xFFFFD800  }
0x1d: {  	[tilespmem:s23], [sflag:$0x3] =	stream.linear.gather [hbm4b:s31+s4], $0x2800, $0x38;
	[tilespmem:$0x17440] =	vst v63  }
0x1e: {  	_ =	swait.ge [sflag:s22], $0x2800  }
0x1f: {  	[sflag:s22] =	ssyncset.done $0x0  }
0x20: {  	[sflag:s22] =	ssyncadd.s32 $0xFFFFD800  }
0x21: {  	[spmem:s10] =	stream.linear.scatter [tilespmem:s23], [sflag:$0x3], $0x2800, $0x38;
	[tilespmem:$0x17440] =	vst v63  }
0x22: {  	_ =	swait.ge [sflag:s22], $0x2800  }
0x23: {  	[sflag:s22] =	ssyncset.done $0x0  }
0x24: {  	[sflag:s22] =	ssyncadd.s32 $0xFFFFD800  }
0x25: {  	[spmem:s11] =	stream.linear.scatter [tilespmem:s23], [sflag:$0x3], $0x2800, $0x38;
	[tilespmem:$0x17440] =	vst v63  }
0x26: {  	_ =	swait.ge [sflag:s22], $0x2800  }
0x27: {  	[sflag:s22] =	ssyncset.done $0x0  }
0x28: {  	[sflag:s22] =	ssyncadd.s32 $0xFFFFD800  }
0x29: {  	[spmem:s12] =	stream.linear.scatter [tilespmem:s23], [sflag:$0x3], $0x2800, $0x38;
	[tilespmem:$0x17440] =	vst v63  }
0x2a: {  	_ =	swait.ge [sflag:s22], $0x2800  }
0x2b: {  	[sflag:s22] =	ssyncset.done $0x0  }
0x2c: {  	[sflag:s22] =	ssyncadd.s32 $0xFFFFD800  }
0x2d: {  	[spmem:s13] =	stream.linear.scatter [tilespmem:s23], [sflag:$0x3], $0x2800, $0x38;
	[tilespmem:$0x17440] =	vst v63  }
0x2e: {  	_ =	swait.ge [sflag:s22], $0x2800  }
0x2f: {  	[sflag:s22] =	ssyncset.done $0x0  }
0x30: {  	s0 =	simm.s32 @!p0 $0xAC00;
	s7 =	rddreg [dreg:$0x7];
	[sflag:s22] =	ssyncadd.s32 $0xFFFFD800  }
0x31: {  	[spmem:s7] =	stream.linear.scatter @!p0 [tilespmem:s0], [sflag:$0x3], $0x400, $0x38;
	[tilespmem:$0x17440] =	vst v63  }
0x32: {  	s0 =	simm.s32 @!p0 $0x3  }
0x33: {  	_ =	swait.ge @!p0 [sflag:s0], $0x400  }
0x34: {  	[sflag:s0] =	ssyncset.done @!p0 $0x0  }
0x35: {  	[sflag:s0] =	ssyncadd.s32 @!p0 $0xFFFFFC00  }
0x36: {  	s30 =	simm.s32 $0x0;
	[bflag:$0x0] =	sbarrier.arrive $0xFFFF  }
.LBB2_2:
0x37: {  	s0 =	smul.u32 $0xFA0, s30;
	_ =	sdelay $0x1  }
0x38: {  	s0 =	sadd.s32 s9, s0  }
0x39: {  	s7 =	sshrl.u32 s0, $0x3  }
0x3a: {  	s31 =	simm.s32 $0x0;
	s0 =	sadd.s32 s1, s7  }
0x3b: {  	[tilespmem:s31], [sflag:$0x3] =	stream.linear.gather [hbm4b:s0+s31], $0xFA0, $0x38;
	[tilespmem:$0x17440] =	vst v63  }
0x3c: {  	_ =	swait.ge [sflag:s22], $0xFA0  }
0x3d: {  	[sflag:s22] =	ssyncset.done $0x0  }
0x3e: {  	s8 =	sadd.s32 s6, s7;
	s0 =	simm.s32 $0x1000;
	[sflag:s22] =	ssyncadd.s32 $0xFFFFF060  }
0x3f: {  	[tilespmem:s0], [sflag:$0x3] =	stream.linear.gather [hbm4b:s8+s31], $0xFA0, $0x38;
	[tilespmem:$0x17440] =	vst v63  }
0x40: {  	_ =	swait.ge [sflag:s22], $0xFA0  }
0x41: {  	[sflag:s22] =	ssyncset.done $0x0  }
0x42: {  	s21 =	simm.s32 $0x3000;
	s7 =	sadd.s32 s2, s7;
	[sflag:s22] =	ssyncadd.s32 $0xFFFFF060  }
0x43: {  	[tilespmem:s21], [sflag:$0x3] =	stream.linear.gather [hbm4b:s7+s31], $0xFA0, $0x38;
	[tilespmem:$0x17440] =	vst v63  }
0x44: {  	_ =	swait.ge [sflag:s22], $0xFA0  }
0x45: {  	[sflag:s22] =	ssyncset.done $0x0  }
0x46: {  	s8 =	simm.s32 $0x0;
	s7 =	simm.s32 $0x2000;
	[sflag:s22] =	ssyncadd.s32 $0xFFFFF060  }
.LBB2_3:
0x47: {  	v1 =	vld [tilespmem:s31+$0x0];
	_ =	sdelay $0x1  }
0x48: {  	v2 =	vld [tilespmem:s0+$0x0];
	_ =	sdelay $0x2  }
0x49: {  	v1 =	vmul.u32 $0x2710, v1  }
0x4a: {  	s14 =	smul.u32 $0xCD, s8  }
0x4b: {  	v1 =	vadd.s32 v2, v1  }
0x4c: {  	s15 =	sshrl.u32 s14, $0xA;
	[tilespmem:s7+$0x0] =	vst v1  }
0x4d: {  	s15 =	sand.u32 $0x3F, s15;
	v1 =	vld [tilespmem:s21+$0x0]  }
0x4e: {  	s15 =	smul.u32 $0x5, s15;
	_ =	sdelay $0x1  }
0x4f: {  	s15 =	ssub.s32 s8, s15;
	s8 =	sadd.s32 $0x1, s8  }
0x50: {  	p2 =	sne.s32 s8, $0xFA  }
.Ltmp0:
0x51: {  	_ = 	snop;
	(pc) =	sbr.rel @p2 .LBB2_3-.Ltmp0, $4  }
0x52: {  	s14 =	sshrl.u32 s14, $0x3;
	s15 =	sand.u32 $0xFF, s15  }
0x53: {  	s16 =	simm.s32 @!p1 $0x5C00;
	s14 =	sand.u32 $0x1F80, s14;
	v2 =	vimm.f32 @!p1 $1.000000000e+00;
	s15 =	sshll.u32 s15, $0x4;
	v3 =	vadd.s32 v0, v1  }
0x54: {  	s31 =	sadd.s32 $0x10, s31;
	s14 =	sor.u32 s15, s14;
	[tilespmem:v1+s16+$0x0] =	vst.idx.add.f32.msk @!p1 $0xffff, v2;
	v1 =	vmin.u32 v3, $0x1400  }
0x55: {  	s0 =	sadd.s32 $0x10, s0;
	s7 =	sadd.s32 $0x10, s7;
	s21 =	sadd.s32 $0x10, s21;
	[tilespmem:s14+$0x4000] =	vst v1  }
0x56: {  	s0 =	simm.s32 $0x2000  }
0x57: {  	[tilespmem:s25], [sflag:$0x1] =	stream.indirect.gather [hbm4b:s5+s24], $0x80, s0, s24, $0xb8;
	[tilespmem:$0x17440] =	vst v63  }
0x58: {  	s15 =	simm.s32 $0x2050  }
0x59: {  	[tilespmem:s23], [sflag:$0x2] =	stream.indirect.gather [hbm4b:s5+s24], $0x80, s15, s24, $0xb8;
	[tilespmem:$0x17440] =	vst v63  }
0x5a: {  	_ =	swait.ge [sflag:s26], $0x2800  }
0x5b: {  	[sflag:s26] =	ssyncset.done $0x0  }
0x5c: {  	s16 =	simm.s32 $0x4000;
	[sflag:s26] =	ssyncadd.s32 $0xFFFFD800  }
0x5d: {  	[spmem:s3] =	stream.indirect.scatter.add.f32 [tilespmem:s25], [sflag:$0x3], $0x80, s16, s24, $0xb8;
	[tilespmem:$0x17440] =	vst v63  }
0x5e: {  	_ =	swait.ge [sflag:s22], $0x2800  }
0x5f: {  	[sflag:s22] =	ssyncset.done $0x0  }
0x60: {  	[sflag:s22] =	ssyncadd.s32 $0xFFFFD800  }
0x61: {  	_ =	swait.ge [sflag:s28], $0x2800  }
0x62: {  	[sflag:s28] =	ssyncset.done $0x0  }
0x63: {  	s21 =	simm.s32 $0x4080;
	[sflag:s28] =	ssyncadd.s32 $0xFFFFD800  }
0x64: {  	[spmem:s3] =	stream.indirect.scatter.add.f32 [tilespmem:s23], [sflag:$0x3], $0x80, s21, s24, $0xb8;
	[tilespmem:$0x17440] =	vst v63  }
0x65: {  	s7 =	simm.s32 $0x500;
	_ =	swait.ge [sflag:s22], $0x2800  }
0x66: {  	s31 =	simm.s32 $0x4100;
	s0 =	simm.s32 $0xA0;
	[sflag:s22] =	ssyncset.done $0x0  }
.LBB2_5:
0x67: {  	s8 =	sadd.s32 $0x2000, s0  }
0x68: {  	[sflag:s22] =	ssyncadd.s32 $0xFFFFD800;
	s14 =	smov.u32 s7;
	s15 =	sadd.s32 $0x280, s7  }
0x69: {  	[tilespmem:s25], [sflag:$0x1] =	stream.indirect.gather [hbm4b:s5+s24], $0x80, s8, s24, $0xb8;
	[tilespmem:$0x17440] =	vst v63  }
0x6a: {  	p2 =	sne.s32 s7, $0x3C00;
	s0 =	sadd.s32 $0x2050, s0  }
0x6b: {  	[tilespmem:s23], [sflag:$0x2] =	stream.indirect.gather [hbm4b:s5+s24], $0x80, s0, s24, $0xb8;
	[tilespmem:$0x17440] =	vst v63  }
0x6c: {  	_ =	swait.ge [sflag:s26], $0x2800  }
0x6d: {  	[sflag:s26] =	ssyncset.done $0x0  }
0x6e: {  	[sflag:s26] =	ssyncadd.s32 $0xFFFFD800  }
0x6f: {  	[spmem:s3] =	stream.indirect.scatter.add.f32 [tilespmem:s25], [sflag:$0x3], $0x80, s31, s24, $0xb8;
	[tilespmem:$0x17440] =	vst v63  }
0x70: {  	_ =	swait.ge [sflag:s22], $0x2800  }
0x71: {  	[sflag:s22] =	ssyncset.done $0x0  }
0x72: {  	[sflag:s22] =	ssyncadd.s32 $0xFFFFD800  }
0x73: {  	_ =	swait.ge [sflag:s28], $0x2800  }
.Ltmp1:
0x74: {  	[sflag:s28] =	ssyncset.done $0x0;
	(pc) =	sbr.rel @p2 .LBB2_5-.Ltmp1, $4  }
0x75: {  	s0 =	sadd.s32 $0x80, s31;
	[sflag:s28] =	ssyncadd.s32 $0xFFFFD800  }
0x76: {  	[spmem:s3] =	stream.indirect.scatter.add.f32 [tilespmem:s23], [sflag:$0x3], $0x80, s0, s24, $0xb8;
	[tilespmem:$0x17440] =	vst v63  }
0x77: {  	s7 =	smov.u32 s15;
	_ =	swait.ge [sflag:s22], $0x2800  }
0x78: {  	s31 =	sadd.s32 $0x100, s31;
	s0 =	sshra.s32 s14, $0x2;
	[sflag:s22] =	ssyncset.done $0x0  }
0x79: {  	s7 =	sadd.s32 $0x2000, s0;
	[sflag:s22] =	ssyncadd.s32 $0xFFFFD800  }
0x7a: {  	[tilespmem:s25], [sflag:$0x1] =	stream.indirect.gather [hbm4b:s5+s24], $0x80, s7, s24, $0xb8;
	[tilespmem:$0x17440] =	vst v63  }
0x7b: {  	s21 =	sadd.s32 $0x2050, s0  }
0x7c: {  	[tilespmem:s23], [sflag:$0x2] =	stream.indirect.gather [hbm4b:s5+s24], $0x80, s21, s24, $0xb8;
	[tilespmem:$0x17440] =	vst v63  }
0x7d: {  	_ =	swait.ge [sflag:s26], $0x2800  }
0x7e: {  	[sflag:s26] =	ssyncset.done $0x0  }
0x7f: {  	[sflag:s26] =	ssyncadd.s32 $0xFFFFD800  }
0x80: {  	[spmem:s3] =	stream.indirect.scatter.add.f32 [tilespmem:s25], [sflag:$0x3], $0x80, s31, s24, $0xb8;
	[tilespmem:$0x17440] =	vst v63  }
0x81: {  	_ =	swait.ge [sflag:s22], $0x2800  }
0x82: {  	[sflag:s22] =	ssyncset.done $0x0  }
0x83: {  	[sflag:s22] =	ssyncadd.s32 $0xFFFFD800  }
0x84: {  	s30 =	sadd.s32 $0x1, s30;
	_ =	swait.ge [sflag:s28], $0x2800  }
0x85: {  	p2 =	sne.s32 s30, $0x5;
	[sflag:s28] =	ssyncset.done $0x0  }
.Ltmp2:
0x86: {  	s31 =	sadd.s32 $0x80, s31;
	[sflag:s28] =	ssyncadd.s32 $0xFFFFD800;
	(pc) =	sbr.rel @p2 .LBB2_2-.Ltmp2, $4  }
0x87: {  	[spmem:s3] =	stream.indirect.scatter.add.f32 [tilespmem:s23], [sflag:$0x3], $0x80, s31, s24, $0xb8;
	[tilespmem:$0x17440] =	vst v63  }
0x88: {  	_ =	swait.ge [sflag:s22], $0x2800  }
0x89: {  	[sflag:s22] =	ssyncset.done $0x0  }
0x8a: {  	[sflag:s22] =	ssyncadd.s32 $0xFFFFD800  }
0x8b: {  	[bflag:$0x0] =	sbarrier.arrive $0xFFFF  }
0x8c: {  	[tilespmem:s23], [sflag:$0x3] =	stream.linear.gather [spmem:s10], $0x2800, $0x38;
	[tilespmem:$0x17440] =	vst v63  }
0x8d: {  	_ =	swait.ge [sflag:s22], $0x2800  }
0x8e: {  	[sflag:s22] =	ssyncset.done $0x0  }
0x8f: {  	s0 =	rddreg [dreg:$0x8];
	[sflag:s22] =	ssyncadd.s32 $0xFFFFD800  }
0x90: {  	[hbm4b:s0+s4] =	stream.linear.scatter [tilespmem:s23], [sflag:$0x3], $0x2800, $0x38;
	[tilespmem:$0x17440] =	vst v63  }
0x91: {  	_ =	swait.ge [sflag:s22], $0x2800  }
0x92: {  	[sflag:s22] =	ssyncset.done $0x0  }
0x93: {  	[sflag:s22] =	ssyncadd.s32 $0xFFFFD800  }
0x94: {  	[tilespmem:s23], [sflag:$0x3] =	stream.linear.gather [spmem:s11], $0x2800, $0x38;
	[tilespmem:$0x17440] =	vst v63  }
0x95: {  	_ =	swait.ge [sflag:s22], $0x2800  }
0x96: {  	[sflag:s22] =	ssyncset.done $0x0  }
0x97: {  	s31 =	rddreg [dreg:$0x9];
	[sflag:s22] =	ssyncadd.s32 $0xFFFFD800  }
0x98: {  	[hbm4b:s31+s4] =	stream.linear.scatter [tilespmem:s23], [sflag:$0x3], $0x2800, $0x38;
	[tilespmem:$0x17440] =	vst v63  }
0x99: {  	_ =	swait.ge [sflag:s22], $0x2800  }
0x9a: {  	[sflag:s22] =	ssyncset.done $0x0  }
0x9b: {  	[sflag:s22] =	ssyncadd.s32 $0xFFFFD800  }
0x9c: {  	[tilespmem:s23], [sflag:$0x3] =	stream.linear.gather [spmem:s12], $0x2800, $0x38;
	[tilespmem:$0x17440] =	vst v63  }
0x9d: {  	_ =	swait.ge [sflag:s22], $0x2800  }
0x9e: {  	[sflag:s22] =	ssyncset.done $0x0  }
0x9f: {  	[sflag:s22] =	ssyncadd.s32 $0xFFFFD800  }
0xa0: {  	[hbm4b:s17+s4] =	stream.linear.scatter [tilespmem:s23], [sflag:$0x3], $0x2800, $0x38;
	[tilespmem:$0x17440] =	vst v63  }
0xa1: {  	_ =	swait.ge [sflag:s22], $0x2800  }
0xa2: {  	[sflag:s22] =	ssyncset.done $0x0  }
0xa3: {  	[sflag:s22] =	ssyncadd.s32 $0xFFFFD800  }
0xa4: {  	[tilespmem:s23], [sflag:$0x3] =	stream.linear.gather [spmem:s13], $0x2800, $0x38;
	[tilespmem:$0x17440] =	vst v63  }
0xa5: {  	_ =	swait.ge [sflag:s22], $0x2800  }
0xa6: {  	[sflag:s22] =	ssyncset.done $0x0  }
0xa7: {  	[sflag:s22] =	ssyncadd.s32 $0xFFFFD800  }
0xa8: {  	[hbm4b:s18+s4] =	stream.linear.scatter [tilespmem:s23], [sflag:$0x3], $0x2800, $0x38;
	[tilespmem:$0x17440] =	vst v63  }
0xa9: {  	_ =	swait.ge [sflag:s22], $0x2800  }
0xaa: {  	s7 =	simm.s32 @!p1 $0x5C00;
	s29 =	sadd.s32 $0x1, s29;
	[sflag:s22] =	ssyncset.done $0x0  }
0xab: {  	p2 =	sne.s32 s29, s20;
	s0 =	simm.s32 @!p1 $0x0;
	[sflag:s22] =	ssyncadd.s32 $0xFFFFD800  }
0xac: {  	[hbm4b:s19+s0] =	stream.linear.scatter @!p1 [tilespmem:s7], [sflag:$0x3], $0x2800, $0x38;
	[tilespmem:$0x17440] =	vst v63  }
.Ltmp3:
0xad: {  	_ = 	snop;
	(pc) =	sbr.rel @p2 .LBB2_1-.Ltmp3, $4  }
0xae: {  	s0 =	simm.s32 @!p1 $0x3  }
0xaf: {  	_ =	swait.ge @!p1 [sflag:s0], $0x2800  }
0xb0: {  	[sflag:s0] =	ssyncset.done @!p1 $0x0  }
0xb1: {  	[sflag:s0] =	ssyncadd.s32 @!p1 $0xFFFFD800  }
0xb2: {  	_ =	sfence.sel $0x180000  }
0xb3: {  	[bflag:$0x0] =	sbarrier.arrive $0xFFFF  }
0xb4: {  	_ =	strace $0x90000047  }
0xb5: {  	[bflag:$0x2] =	sbarrier.arrive $0xFFFF  }
0xb6: {  	s0 =	rddreg [dreg:$0x4]  }
0xb7: {  	s0 =	sadd.s32 @!p0 $0x100000, s0  }
0xb8: {  	[sflag:s0] =	ssyncadd.tile.s32 @!p0 $0x1;
	_ =	shalt  }
.Lfunc_end2:
_tile_overlayer_lowered:
.L_overlay_start_2:
0xb9: {  	(tag) =	ssettag $0x2  }
0xba: {  	s0 =	rddreg [dreg:$0x0];
	s2 =	stileid.u32  }
0xbb: {  	s1 =	rddreg [dreg:$0x1];
	p0 =	sne.s32 s2, $0x0  }
0xbc: {  	s3 =	rddreg [dreg:$0x2];
	[bflag:$0x3] =	sbarrier.arrive $0xFFFF;
	s2 =	simm.s32 @!p0 $0x1C03  }
0xbd: {  	[timem:s3], [sflag:s2] =	dma.local @!p0 [hbm:s0], s1  }
0xbe: {  	s0 =	simm.s32 @!p0 $0x3  }
0xbf: {  	_ =	swait.ge @!p0 [sflag:s0], s1  }
0xc0: {  	s1 =	ssub.s32 @!p0 $0x0, s1;
	[sflag:s0] =	ssyncset.done @!p0 $0x0  }
0xc1: {  	[sflag:s0] =	ssyncadd.s32 @!p0 s1  }
0xc2: {  	[bflag:$0x3] =	sbarrier.arrive $0xFFFF  }
0xc3: {  	_ =	shalt  }

</sc_bundles>
